<compile_context>
chip_gen: v7x
topology: tpu7x:2x2x1
jax: 0.10.2.dev20260603
libtpu: 0.0.44.dev20260713+nightly
codegen_flags: <defaults>
</compile_context>

<pallas_src>
import functools

import jax
import jax.numpy as jnp
from jax import lax
from jax.experimental import pallas as pl
from jax.experimental.pallas import tpu as pltpu
from jax.experimental.pallas import tpu_sc as plsc

N_COLS = 256
N_ROWS = 65536
N_SEL = 64

NUM_CORES = 2
NUM_SUBCORES = 16
NW = NUM_CORES * NUM_SUBCORES
CHUNK = N_ROWS // NW
BATCH = 8
NBATCH = N_SEL // BATCH
NBUF = 7


def _sc_gather(values, cols):
  mesh = plsc.VectorSubcoreMesh(core_axis_name="c", subcore_axis_name="s")

  @functools.partial(
      pl.kernel,
      mesh=mesh,
      out_type=jax.ShapeDtypeStruct((N_SEL, N_ROWS), jnp.float32),
      scratch_types=[
          pltpu.VMEM((N_SEL,), jnp.int32),
          pltpu.VMEM((NBUF, BATCH, CHUNK), jnp.float32),
          pltpu.SemaphoreType.DMA,
          pltpu.SemaphoreType.DMA,
      ],
  )
  def k(values_hbm, cols_hbm, out_hbm, idx_v, buf_v, gsem, ssem):
    w = lax.axis_index("s") * NUM_CORES + lax.axis_index("c")
    col0 = w * CHUNK

    pltpu.sync_copy(cols_hbm, idx_v)

    def gather(b):
      c = pltpu.make_async_copy(
          values_hbm.at[idx_v.at[pl.ds(b * BATCH, BATCH)], pl.ds(col0, CHUNK)],
          buf_v.at[b % NBUF],
          gsem,
      )
      c.start()
      return c

    def scatter(b):
      s = pltpu.make_async_copy(
          buf_v.at[b % NBUF],
          out_hbm.at[pl.ds(b * BATCH, BATCH), pl.ds(col0, CHUNK)],
          ssem,
      )
      s.start()
      return s

    gathers = [gather(b) for b in range(NBUF)]
    scatters = []
    for b in range(NBATCH):
      gathers[b].wait()
      scatters.append(scatter(b))
      if b + NBUF < NBATCH:
        scatters[b].wait()
        gathers.append(gather(b + NBUF))
    for b in range(NBATCH - NBUF, NBATCH):
      scatters[b].wait()

  return k(values, cols)


def kernel(values, cols):
  return _sc_gather(values, cols)

# --- scband reference (transcript-rebuilt; emitter-appended) ---
"""Pipeline reference for scband-data-frame-th-47425028883087 (READ-ONLY COPY).

The authoritative reference and input builder live on the scoring server;
editing this copy changes nothing except your own understanding.
"""

import jax, jax.numpy as jnp
import numpy as np

# DataFrameTh stores values transposed: shape [n_cols, n_rows].
# The runnable 'forward' op is __getitem__(cols): map column labels -> integer
# positions via map_inp (identity here since labels = range(n_cols)), then
# gather those rows of the [n_cols, n_rows] buffer.

N_COLS = 256
N_ROWS = 65536
N_SEL = 64

def setup_inputs(seed: int = 0) -> dict:
    key = jax.random.key(seed)
    k1, k2 = jax.random.split(key)
    values = jax.random.normal(k1, (N_COLS, N_ROWS), dtype=jnp.float32)
    # column labels are range(n_cols), so map_inp[labels].values == labels
    cols = jax.random.randint(k2, (N_SEL,), 0, N_COLS, dtype=jnp.int32)
    return {"values": values, "cols": cols}

def reference(values, cols):
    # self.values[self.map_inp[cols].values] with identity label->position map
    return jnp.take(values, cols, axis=0)

if __name__ == "__main__":
    import jax
    _d = setup_inputs()
    print(jax.jit(kernel)(*tuple(_d.values())))

</pallas_src>

<mosaic_0001>
#map = affine_map<(d0, d1) -> (0, 0)>
#map1 = affine_map<(d0, d1) -> (0)>
module attributes {stable_mosaic.version = 14 : i64} {
  func.func @k(%arg0: i32, %arg1: i32, %arg2: memref<256x65536xf32, #tpu.memory_space<hbm>>, %arg3: memref<64xi32, #tpu.memory_space<hbm>>, %arg4: memref<64x65536xf32, #tpu.memory_space<hbm>>, %arg5: memref<64xi32, #tpu.memory_space<vmem>>, %arg6: memref<7x8x2048xf32, #tpu.memory_space<vmem>>, %arg7: memref<!tpu.dma_semaphore, #tpu.memory_space<semaphore_mem>>, %arg8: memref<!tpu.dma_semaphore, #tpu.memory_space<semaphore_mem>>) attributes {dimension_semantics = [#tpu.dimension_semantics<core_parallel>, #tpu.dimension_semantics<subcore_parallel>], iteration_bounds = array<i64: 2, 16>, scalar_prefetch = 0 : i64, scratch_operands = 4 : i64, tpu.core_type = #tpu.core_type<sc_vector_subcore>, window_params = [{transform_indices = #map}, {transform_indices = #map1}, {transform_indices = #map}]} {
    %mul3A = arith.constant 2 : i32
    %mul3A_0 = arith.muli %arg1, %mul3A : i32
    %add3A = arith.addi %mul3A_0, %arg0 : i32
    %mul3A_1 = arith.constant 2048 : i32
    %mul3A_2 = arith.muli %add3A, %mul3A_1 : i32
    "tpu.region"() ({
      %run_scoped3A = tpu.sem_alloc : memref<!tpu.dma_semaphore, #tpu.memory_space<semaphore_mem>>
      tpu.enqueue_dma source(%arg3 : memref<64xi32, #tpu.memory_space<hbm>>) target(%arg5 : memref<64xi32, #tpu.memory_space<vmem>>) target_semaphore(%run_scoped3A : memref<!tpu.dma_semaphore, #tpu.memory_space<semaphore_mem>>)
      tpu.wait_dma2 semaphore(%run_scoped3A : memref<!tpu.dma_semaphore, #tpu.memory_space<semaphore_mem>>) src(%arg3 : memref<64xi32, #tpu.memory_space<hbm>>) dst(%arg5 : memref<64xi32, #tpu.memory_space<vmem>>)
      tpu.yield
    }) : () -> ()
    %dma_start3A = arith.constant 0 : i32
    %dma_start3A_3 = arith.constant 0 : i32
    %dma_start3A_4 = arith.constant 0 : i32
    %dma_start3A_5 = tpu.memref_slice %arg6[%dma_start3A, %dma_start3A_3, %dma_start3A_4] : memref<7x8x2048xf32, #tpu.memory_space<vmem>> -> memref<1x8x2048xf32, #tpu.memory_space<vmem>>
    %dma_start3A_6 = tpu.memref_squeeze %dma_start3A_5 : memref<1x8x2048xf32, #tpu.memory_space<vmem>> -> memref<8x2048xf32, #tpu.memory_space<vmem>>
    %dma_start3A_7 = arith.constant 0 : i32
    %dma_start3A_8 = tpu.memref_slice %arg5[%dma_start3A_7] : memref<64xi32, #tpu.memory_space<vmem>> -> memref<8xi32, #tpu.memory_space<vmem>>
    %dma_start3A_9 = arith.constant 0 : i32
    %dma_start3A_10 = tpu.memref_slice %arg2[%dma_start3A_9, %mul3A_2] : memref<256x65536xf32, #tpu.memory_space<hbm>> -> memref<256x2048xf32, #tpu.memory_space<hbm>>
    tpu.enqueue_indirect_dma source(%dma_start3A_10 : memref<256x2048xf32, #tpu.memory_space<hbm>>) target(%dma_start3A_6 : memref<8x2048xf32, #tpu.memory_space<vmem>>) offsets(%dma_start3A_8 : memref<8xi32, #tpu.memory_space<vmem>>) semaphore(%arg7 : memref<!tpu.dma_semaphore, #tpu.memory_space<semaphore_mem>>)
    %dma_start3A_11 = arith.constant 1 : i32
    %dma_start3A_12 = arith.constant 0 : i32
    %dma_start3A_13 = arith.constant 0 : i32
    %dma_start3A_14 = tpu.memref_slice %arg6[%dma_start3A_11, %dma_start3A_12, %dma_start3A_13] : memref<7x8x2048xf32, #tpu.memory_space<vmem>> -> memref<1x8x2048xf32, #tpu.memory_space<vmem>>
    %dma_start3A_15 = tpu.memref_squeeze %dma_start3A_14 : memref<1x8x2048xf32, #tpu.memory_space<vmem>> -> memref<8x2048xf32, #tpu.memory_space<vmem>>
    %dma_start3A_16 = arith.constant 8 : i32
    %dma_start3A_17 = tpu.memref_slice %arg5[%dma_start3A_16] : memref<64xi32, #tpu.memory_space<vmem>> -> memref<8xi32, #tpu.memory_space<vmem>>
    %dma_start3A_18 = arith.constant 0 : i32
    %dma_start3A_19 = tpu.memref_slice %arg2[%dma_start3A_18, %mul3A_2] : memref<256x65536xf32, #tpu.memory_space<hbm>> -> memref<256x2048xf32, #tpu.memory_space<hbm>>
    tpu.enqueue_indirect_dma source(%dma_start3A_19 : memref<256x2048xf32, #tpu.memory_space<hbm>>) target(%dma_start3A_15 : memref<8x2048xf32, #tpu.memory_space<vmem>>) offsets(%dma_start3A_17 : memref<8xi32, #tpu.memory_space<vmem>>) semaphore(%arg7 : memref<!tpu.dma_semaphore, #tpu.memory_space<semaphore_mem>>)
    %dma_start3A_20 = arith.constant 2 : i32
    %dma_start3A_21 = arith.constant 0 : i32
    %dma_start3A_22 = arith.constant 0 : i32
    %dma_start3A_23 = tpu.memref_slice %arg6[%dma_start3A_20, %dma_start3A_21, %dma_start3A_22] : memref<7x8x2048xf32, #tpu.memory_space<vmem>> -> memref<1x8x2048xf32, #tpu.memory_space<vmem>>
    %dma_start3A_24 = tpu.memref_squeeze %dma_start3A_23 : memref<1x8x2048xf32, #tpu.memory_space<vmem>> -> memref<8x2048xf32, #tpu.memory_space<vmem>>
    %dma_start3A_25 = arith.constant 16 : i32
    %dma_start3A_26 = tpu.memref_slice %arg5[%dma_start3A_25] : memref<64xi32, #tpu.memory_space<vmem>> -> memref<8xi32, #tpu.memory_space<vmem>>
    %dma_start3A_27 = arith.constant 0 : i32
    %dma_start3A_28 = tpu.memref_slice %arg2[%dma_start3A_27, %mul3A_2] : memref<256x65536xf32, #tpu.memory_space<hbm>> -> memref<256x2048xf32, #tpu.memory_space<hbm>>
    tpu.enqueue_indirect_dma source(%dma_start3A_28 : memref<256x2048xf32, #tpu.memory_space<hbm>>) target(%dma_start3A_24 : memref<8x2048xf32, #tpu.memory_space<vmem>>) offsets(%dma_start3A_26 : memref<8xi32, #tpu.memory_space<vmem>>) semaphore(%arg7 : memref<!tpu.dma_semaphore, #tpu.memory_space<semaphore_mem>>)
    %dma_start3A_29 = arith.constant 3 : i32
    %dma_start3A_30 = arith.constant 0 : i32
    %dma_start3A_31 = arith.constant 0 : i32
    %dma_start3A_32 = tpu.memref_slice %arg6[%dma_start3A_29, %dma_start3A_30, %dma_start3A_31] : memref<7x8x2048xf32, #tpu.memory_space<vmem>> -> memref<1x8x2048xf32, #tpu.memory_space<vmem>>
    %dma_start3A_33 = tpu.memref_squeeze %dma_start3A_32 : memref<1x8x2048xf32, #tpu.memory_space<vmem>> -> memref<8x2048xf32, #tpu.memory_space<vmem>>
    %dma_start3A_34 = arith.constant 24 : i32
    %dma_start3A_35 = tpu.memref_slice %arg5[%dma_start3A_34] : memref<64xi32, #tpu.memory_space<vmem>> -> memref<8xi32, #tpu.memory_space<vmem>>
    %dma_start3A_36 = arith.constant 0 : i32
    %dma_start3A_37 = tpu.memref_slice %arg2[%dma_start3A_36, %mul3A_2] : memref<256x65536xf32, #tpu.memory_space<hbm>> -> memref<256x2048xf32, #tpu.memory_space<hbm>>
    tpu.enqueue_indirect_dma source(%dma_start3A_37 : memref<256x2048xf32, #tpu.memory_space<hbm>>) target(%dma_start3A_33 : memref<8x2048xf32, #tpu.memory_space<vmem>>) offsets(%dma_start3A_35 : memref<8xi32, #tpu.memory_space<vmem>>) semaphore(%arg7 : memref<!tpu.dma_semaphore, #tpu.memory_space<semaphore_mem>>)
    %dma_start3A_38 = arith.constant 4 : i32
    %dma_start3A_39 = arith.constant 0 : i32
    %dma_start3A_40 = arith.constant 0 : i32
    %dma_start3A_41 = tpu.memref_slice %arg6[%dma_start3A_38, %dma_start3A_39, %dma_start3A_40] : memref<7x8x2048xf32, #tpu.memory_space<vmem>> -> memref<1x8x2048xf32, #tpu.memory_space<vmem>>
    %dma_start3A_42 = tpu.memref_squeeze %dma_start3A_41 : memref<1x8x2048xf32, #tpu.memory_space<vmem>> -> memref<8x2048xf32, #tpu.memory_space<vmem>>
    %dma_start3A_43 = arith.constant 32 : i32
    %dma_start3A_44 = tpu.memref_slice %arg5[%dma_start3A_43] : memref<64xi32, #tpu.memory_space<vmem>> -> memref<8xi32, #tpu.memory_space<vmem>>
    %dma_start3A_45 = arith.constant 0 : i32
    %dma_start3A_46 = tpu.memref_slice %arg2[%dma_start3A_45, %mul3A_2] : memref<256x65536xf32, #tpu.memory_space<hbm>> -> memref<256x2048xf32, #tpu.memory_space<hbm>>
    tpu.enqueue_indirect_dma source(%dma_start3A_46 : memref<256x2048xf32, #tpu.memory_space<hbm>>) target(%dma_start3A_42 : memref<8x2048xf32, #tpu.memory_space<vmem>>) offsets(%dma_start3A_44 : memref<8xi32, #tpu.memory_space<vmem>>) semaphore(%arg7 : memref<!tpu.dma_semaphore, #tpu.memory_space<semaphore_mem>>)
    %dma_start3A_47 = arith.constant 5 : i32
    %dma_start3A_48 = arith.constant 0 : i32
    %dma_start3A_49 = arith.constant 0 : i32
    %dma_start3A_50 = tpu.memref_slice %arg6[%dma_start3A_47, %dma_start3A_48, %dma_start3A_49] : memref<7x8x2048xf32, #tpu.memory_space<vmem>> -> memref<1x8x2048xf32, #tpu.memory_space<vmem>>
    %dma_start3A_51 = tpu.memref_squeeze %dma_start3A_50 : memref<1x8x2048xf32, #tpu.memory_space<vmem>> -> memref<8x2048xf32, #tpu.memory_space<vmem>>
    %dma_start3A_52 = arith.constant 40 : i32
    %dma_start3A_53 = tpu.memref_slice %arg5[%dma_start3A_52] : memref<64xi32, #tpu.memory_space<vmem>> -> memref<8xi32, #tpu.memory_space<vmem>>
    %dma_start3A_54 = arith.constant 0 : i32
    %dma_start3A_55 = tpu.memref_slice %arg2[%dma_start3A_54, %mul3A_2] : memref<256x65536xf32, #tpu.memory_space<hbm>> -> memref<256x2048xf32, #tpu.memory_space<hbm>>
    tpu.enqueue_indirect_dma source(%dma_start3A_55 : memref<256x2048xf32, #tpu.memory_space<hbm>>) target(%dma_start3A_51 : memref<8x2048xf32, #tpu.memory_space<vmem>>) offsets(%dma_start3A_53 : memref<8xi32, #tpu.memory_space<vmem>>) semaphore(%arg7 : memref<!tpu.dma_semaphore, #tpu.memory_space<semaphore_mem>>)
    %dma_start3A_56 = arith.constant 6 : i32
    %dma_start3A_57 = arith.constant 0 : i32
    %dma_start3A_58 = arith.constant 0 : i32
    %dma_start3A_59 = tpu.memref_slice %arg6[%dma_start3A_56, %dma_start3A_57, %dma_start3A_58] : memref<7x8x2048xf32, #tpu.memory_space<vmem>> -> memref<1x8x2048xf32, #tpu.memory_space<vmem>>
    %dma_start3A_60 = tpu.memref_squeeze %dma_start3A_59 : memref<1x8x2048xf32, #tpu.memory_space<vmem>> -> memref<8x2048xf32, #tpu.memory_space<vmem>>
    %dma_start3A_61 = arith.constant 48 : i32
    %dma_start3A_62 = tpu.memref_slice %arg5[%dma_start3A_61] : memref<64xi32, #tpu.memory_space<vmem>> -> memref<8xi32, #tpu.memory_space<vmem>>
    %dma_start3A_63 = arith.constant 0 : i32
    %dma_start3A_64 = tpu.memref_slice %arg2[%dma_start3A_63, %mul3A_2] : memref<256x65536xf32, #tpu.memory_space<hbm>> -> memref<256x2048xf32, #tpu.memory_space<hbm>>
    tpu.enqueue_indirect_dma source(%dma_start3A_64 : memref<256x2048xf32, #tpu.memory_space<hbm>>) target(%dma_start3A_60 : memref<8x2048xf32, #tpu.memory_space<vmem>>) offsets(%dma_start3A_62 : memref<8xi32, #tpu.memory_space<vmem>>) semaphore(%arg7 : memref<!tpu.dma_semaphore, #tpu.memory_space<semaphore_mem>>)
    %dma_wait3A = arith.constant 0 : i32
    %dma_wait3A_65 = arith.constant 0 : i32
    %dma_wait3A_66 = arith.constant 0 : i32
    %dma_wait3A_67 = tpu.memref_slice %arg6[%dma_wait3A, %dma_wait3A_65, %dma_wait3A_66] : memref<7x8x2048xf32, #tpu.memory_space<vmem>> -> memref<1x8x2048xf32, #tpu.memory_space<vmem>>
    %dma_wait3A_68 = tpu.memref_squeeze %dma_wait3A_67 : memref<1x8x2048xf32, #tpu.memory_space<vmem>> -> memref<8x2048xf32, #tpu.memory_space<vmem>>
    %dma_wait3A_69 = arith.constant 0 : i32
    %dma_wait3A_70 = tpu.memref_slice %arg5[%dma_wait3A_69] : memref<64xi32, #tpu.memory_space<vmem>> -> memref<8xi32, #tpu.memory_space<vmem>>
    %dma_wait3A_71 = arith.constant 0 : i32
    %dma_wait3A_72 = tpu.memref_slice %arg2[%dma_wait3A_71, %mul3A_2] : memref<256x65536xf32, #tpu.memory_space<hbm>> -> memref<256x2048xf32, #tpu.memory_space<hbm>>
    tpu.wait_indirect_dma semaphore(%arg7 : memref<!tpu.dma_semaphore, #tpu.memory_space<semaphore_mem>>) src(%dma_wait3A_72 : memref<256x2048xf32, #tpu.memory_space<hbm>>) dst(%dma_wait3A_68 : memref<8x2048xf32, #tpu.memory_space<vmem>>)
    %dma_start3A_73 = arith.constant 0 : i32
    %dma_start3A_74 = arith.constant 0 : i32
    %dma_start3A_75 = arith.constant 0 : i32
    %dma_start3A_76 = tpu.memref_slice %arg6[%dma_start3A_73, %dma_start3A_74, %dma_start3A_75] : memref<7x8x2048xf32, #tpu.memory_space<vmem>> -> memref<1x8x2048xf32, #tpu.memory_space<vmem>>
    %dma_start3A_77 = tpu.memref_squeeze %dma_start3A_76 : memref<1x8x2048xf32, #tpu.memory_space<vmem>> -> memref<8x2048xf32, #tpu.memory_space<vmem>>
    %dma_start3A_78 = arith.constant 0 : i32
    %dma_start3A_79 = tpu.memref_slice %arg4[%dma_start3A_78, %mul3A_2] : memref<64x65536xf32, #tpu.memory_space<hbm>> -> memref<8x2048xf32, #tpu.memory_space<hbm>>
    %dma_start3A_80 = arith.constant 0 : i32
    %dma_start3A_81 = tpu.memref_slice %arg4[%dma_start3A_80, %mul3A_2] : memref<64x65536xf32, #tpu.memory_space<hbm>> -> memref<8x2048xf32, #tpu.memory_space<hbm>>
    %dma_start3A_82 = arith.constant 0 : i32
    %dma_start3A_83 = arith.constant 0 : i32
    %dma_start3A_84 = tpu.memref_slice %arg6[%dma_start3A_73, %dma_start3A_82, %dma_start3A_83] : memref<7x8x2048xf32, #tpu.memory_space<vmem>> -> memref<1x8x2048xf32, #tpu.memory_space<vmem>>
    %dma_start3A_85 = tpu.memref_squeeze %dma_start3A_84 : memref<1x8x2048xf32, #tpu.memory_space<vmem>> -> memref<8x2048xf32, #tpu.memory_space<vmem>>
    tpu.enqueue_dma source(%dma_start3A_85 : memref<8x2048xf32, #tpu.memory_space<vmem>>) target(%dma_start3A_81 : memref<8x2048xf32, #tpu.memory_space<hbm>>) target_semaphore(%arg8 : memref<!tpu.dma_semaphore, #tpu.memory_space<semaphore_mem>>)
    %dma_wait3A_86 = arith.constant 0 : i32
    %dma_wait3A_87 = arith.constant 0 : i32
    %dma_wait3A_88 = arith.constant 0 : i32
    %dma_wait3A_89 = tpu.memref_slice %arg6[%dma_wait3A_86, %dma_wait3A_87, %dma_wait3A_88] : memref<7x8x2048xf32, #tpu.memory_space<vmem>> -> memref<1x8x2048xf32, #tpu.memory_space<vmem>>
    %dma_wait3A_90 = tpu.memref_squeeze %dma_wait3A_89 : memref<1x8x2048xf32, #tpu.memory_space<vmem>> -> memref<8x2048xf32, #tpu.memory_space<vmem>>
    %dma_wait3A_91 = arith.constant 0 : i32
    %dma_wait3A_92 = tpu.memref_slice %arg4[%dma_wait3A_91, %mul3A_2] : memref<64x65536xf32, #tpu.memory_space<hbm>> -> memref<8x2048xf32, #tpu.memory_space<hbm>>
    %dma_wait3A_93 = arith.constant 0 : i32
    %dma_wait3A_94 = tpu.memref_slice %arg4[%dma_wait3A_93, %mul3A_2] : memref<64x65536xf32, #tpu.memory_space<hbm>> -> memref<8x2048xf32, #tpu.memory_space<hbm>>
    %dma_wait3A_95 = arith.constant 0 : i32
    %dma_wait3A_96 = arith.constant 0 : i32
    %dma_wait3A_97 = tpu.memref_slice %arg6[%dma_wait3A_86, %dma_wait3A_95, %dma_wait3A_96] : memref<7x8x2048xf32, #tpu.memory_space<vmem>> -> memref<1x8x2048xf32, #tpu.memory_space<vmem>>
    %dma_wait3A_98 = tpu.memref_squeeze %dma_wait3A_97 : memref<1x8x2048xf32, #tpu.memory_space<vmem>> -> memref<8x2048xf32, #tpu.memory_space<vmem>>
    tpu.wait_dma2 semaphore(%arg8 : memref<!tpu.dma_semaphore, #tpu.memory_space<semaphore_mem>>) src(%dma_wait3A_98 : memref<8x2048xf32, #tpu.memory_space<vmem>>) dst(%dma_wait3A_94 : memref<8x2048xf32, #tpu.memory_space<hbm>>)
    %dma_start3A_99 = arith.constant 0 : i32
    %dma_start3A_100 = arith.constant 0 : i32
    %dma_start3A_101 = arith.constant 0 : i32
    %dma_start3A_102 = tpu.memref_slice %arg6[%dma_start3A_99, %dma_start3A_100, %dma_start3A_101] : memref<7x8x2048xf32, #tpu.memory_space<vmem>> -> memref<1x8x2048xf32, #tpu.memory_space<vmem>>
    %dma_start3A_103 = tpu.memref_squeeze %dma_start3A_102 : memref<1x8x2048xf32, #tpu.memory_space<vmem>> -> memref<8x2048xf32, #tpu.memory_space<vmem>>
    %dma_start3A_104 = arith.constant 56 : i32
    %dma_start3A_105 = tpu.memref_slice %arg5[%dma_start3A_104] : memref<64xi32, #tpu.memory_space<vmem>> -> memref<8xi32, #tpu.memory_space<vmem>>
    %dma_start3A_106 = arith.constant 0 : i32
    %dma_start3A_107 = tpu.memref_slice %arg2[%dma_start3A_106, %mul3A_2] : memref<256x65536xf32, #tpu.memory_space<hbm>> -> memref<256x2048xf32, #tpu.memory_space<hbm>>
    tpu.enqueue_indirect_dma source(%dma_start3A_107 : memref<256x2048xf32, #tpu.memory_space<hbm>>) target(%dma_start3A_103 : memref<8x2048xf32, #tpu.memory_space<vmem>>) offsets(%dma_start3A_105 : memref<8xi32, #tpu.memory_space<vmem>>) semaphore(%arg7 : memref<!tpu.dma_semaphore, #tpu.memory_space<semaphore_mem>>)
    %dma_wait3A_108 = arith.constant 1 : i32
    %dma_wait3A_109 = arith.constant 0 : i32
    %dma_wait3A_110 = arith.constant 0 : i32
    %dma_wait3A_111 = tpu.memref_slice %arg6[%dma_wait3A_108, %dma_wait3A_109, %dma_wait3A_110] : memref<7x8x2048xf32, #tpu.memory_space<vmem>> -> memref<1x8x2048xf32, #tpu.memory_space<vmem>>
    %dma_wait3A_112 = tpu.memref_squeeze %dma_wait3A_111 : memref<1x8x2048xf32, #tpu.memory_space<vmem>> -> memref<8x2048xf32, #tpu.memory_space<vmem>>
    %dma_wait3A_113 = arith.constant 8 : i32
    %dma_wait3A_114 = tpu.memref_slice %arg5[%dma_wait3A_113] : memref<64xi32, #tpu.memory_space<vmem>> -> memref<8xi32, #tpu.memory_space<vmem>>
    %dma_wait3A_115 = arith.constant 0 : i32
    %dma_wait3A_116 = tpu.memref_slice %arg2[%dma_wait3A_115, %mul3A_2] : memref<256x65536xf32, #tpu.memory_space<hbm>> -> memref<256x2048xf32, #tpu.memory_space<hbm>>
    tpu.wait_indirect_dma semaphore(%arg7 : memref<!tpu.dma_semaphore, #tpu.memory_space<semaphore_mem>>) src(%dma_wait3A_116 : memref<256x2048xf32, #tpu.memory_space<hbm>>) dst(%dma_wait3A_112 : memref<8x2048xf32, #tpu.memory_space<vmem>>)
    %dma_start3A_117 = arith.constant 1 : i32
    %dma_start3A_118 = arith.constant 0 : i32
    %dma_start3A_119 = arith.constant 0 : i32
    %dma_start3A_120 = tpu.memref_slice %arg6[%dma_start3A_117, %dma_start3A_118, %dma_start3A_119] : memref<7x8x2048xf32, #tpu.memory_space<vmem>> -> memref<1x8x2048xf32, #tpu.memory_space<vmem>>
    %dma_start3A_121 = tpu.memref_squeeze %dma_start3A_120 : memref<1x8x2048xf32, #tpu.memory_space<vmem>> -> memref<8x2048xf32, #tpu.memory_space<vmem>>
    %dma_start3A_122 = arith.constant 8 : i32
    %dma_start3A_123 = tpu.memref_slice %arg4[%dma_start3A_122, %mul3A_2] : memref<64x65536xf32, #tpu.memory_space<hbm>> -> memref<8x2048xf32, #tpu.memory_space<hbm>>
    %dma_start3A_124 = arith.constant 8 : i32
    %dma_start3A_125 = tpu.memref_slice %arg4[%dma_start3A_124, %mul3A_2] : memref<64x65536xf32, #tpu.memory_space<hbm>> -> memref<8x2048xf32, #tpu.memory_space<hbm>>
    %dma_start3A_126 = arith.constant 0 : i32
    %dma_start3A_127 = arith.constant 0 : i32
    %dma_start3A_128 = tpu.memref_slice %arg6[%dma_start3A_117, %dma_start3A_126, %dma_start3A_127] : memref<7x8x2048xf32, #tpu.memory_space<vmem>> -> memref<1x8x2048xf32, #tpu.memory_space<vmem>>
    %dma_start3A_129 = tpu.memref_squeeze %dma_start3A_128 : memref<1x8x2048xf32, #tpu.memory_space<vmem>> -> memref<8x2048xf32, #tpu.memory_space<vmem>>
    tpu.enqueue_dma source(%dma_start3A_129 : memref<8x2048xf32, #tpu.memory_space<vmem>>) target(%dma_start3A_125 : memref<8x2048xf32, #tpu.memory_space<hbm>>) target_semaphore(%arg8 : memref<!tpu.dma_semaphore, #tpu.memory_space<semaphore_mem>>)
    %dma_wait3A_130 = arith.constant 2 : i32
    %dma_wait3A_131 = arith.constant 0 : i32
    %dma_wait3A_132 = arith.constant 0 : i32
    %dma_wait3A_133 = tpu.memref_slice %arg6[%dma_wait3A_130, %dma_wait3A_131, %dma_wait3A_132] : memref<7x8x2048xf32, #tpu.memory_space<vmem>> -> memref<1x8x2048xf32, #tpu.memory_space<vmem>>
    %dma_wait3A_134 = tpu.memref_squeeze %dma_wait3A_133 : memref<1x8x2048xf32, #tpu.memory_space<vmem>> -> memref<8x2048xf32, #tpu.memory_space<vmem>>
    %dma_wait3A_135 = arith.constant 16 : i32
    %dma_wait3A_136 = tpu.memref_slice %arg5[%dma_wait3A_135] : memref<64xi32, #tpu.memory_space<vmem>> -> memref<8xi32, #tpu.memory_space<vmem>>
    %dma_wait3A_137 = arith.constant 0 : i32
    %dma_wait3A_138 = tpu.memref_slice %arg2[%dma_wait3A_137, %mul3A_2] : memref<256x65536xf32, #tpu.memory_space<hbm>> -> memref<256x2048xf32, #tpu.memory_space<hbm>>
    tpu.wait_indirect_dma semaphore(%arg7 : memref<!tpu.dma_semaphore, #tpu.memory_space<semaphore_mem>>) src(%dma_wait3A_138 : memref<256x2048xf32, #tpu.memory_space<hbm>>) dst(%dma_wait3A_134 : memref<8x2048xf32, #tpu.memory_space<vmem>>)
    %dma_start3A_139 = arith.constant 2 : i32
    %dma_start3A_140 = arith.constant 0 : i32
    %dma_start3A_141 = arith.constant 0 : i32
    %dma_start3A_142 = tpu.memref_slice %arg6[%dma_start3A_139, %dma_start3A_140, %dma_start3A_141] : memref<7x8x2048xf32, #tpu.memory_space<vmem>> -> memref<1x8x2048xf32, #tpu.memory_space<vmem>>
    %dma_start3A_143 = tpu.memref_squeeze %dma_start3A_142 : memref<1x8x2048xf32, #tpu.memory_space<vmem>> -> memref<8x2048xf32, #tpu.memory_space<vmem>>
    %dma_start3A_144 = arith.constant 16 : i32
    %dma_start3A_145 = tpu.memref_slice %arg4[%dma_start3A_144, %mul3A_2] : memref<64x65536xf32, #tpu.memory_space<hbm>> -> memref<8x2048xf32, #tpu.memory_space<hbm>>
    %dma_start3A_146 = arith.constant 16 : i32
    %dma_start3A_147 = tpu.memref_slice %arg4[%dma_start3A_146, %mul3A_2] : memref<64x65536xf32, #tpu.memory_space<hbm>> -> memref<8x2048xf32, #tpu.memory_space<hbm>>
    %dma_start3A_148 = arith.constant 0 : i32
    %dma_start3A_149 = arith.constant 0 : i32
    %dma_start3A_150 = tpu.memref_slice %arg6[%dma_start3A_139, %dma_start3A_148, %dma_start3A_149] : memref<7x8x2048xf32, #tpu.memory_space<vmem>> -> memref<1x8x2048xf32, #tpu.memory_space<vmem>>
    %dma_start3A_151 = tpu.memref_squeeze %dma_start3A_150 : memref<1x8x2048xf32, #tpu.memory_space<vmem>> -> memref<8x2048xf32, #tpu.memory_space<vmem>>
    tpu.enqueue_dma source(%dma_start3A_151 : memref<8x2048xf32, #tpu.memory_space<vmem>>) target(%dma_start3A_147 : memref<8x2048xf32, #tpu.memory_space<hbm>>) target_semaphore(%arg8 : memref<!tpu.dma_semaphore, #tpu.memory_space<semaphore_mem>>)
    %dma_wait3A_152 = arith.constant 3 : i32
    %dma_wait3A_153 = arith.constant 0 : i32
    %dma_wait3A_154 = arith.constant 0 : i32
    %dma_wait3A_155 = tpu.memref_slice %arg6[%dma_wait3A_152, %dma_wait3A_153, %dma_wait3A_154] : memref<7x8x2048xf32, #tpu.memory_space<vmem>> -> memref<1x8x2048xf32, #tpu.memory_space<vmem>>
    %dma_wait3A_156 = tpu.memref_squeeze %dma_wait3A_155 : memref<1x8x2048xf32, #tpu.memory_space<vmem>> -> memref<8x2048xf32, #tpu.memory_space<vmem>>
    %dma_wait3A_157 = arith.constant 24 : i32
    %dma_wait3A_158 = tpu.memref_slice %arg5[%dma_wait3A_157] : memref<64xi32, #tpu.memory_space<vmem>> -> memref<8xi32, #tpu.memory_space<vmem>>
    %dma_wait3A_159 = arith.constant 0 : i32
    %dma_wait3A_160 = tpu.memref_slice %arg2[%dma_wait3A_159, %mul3A_2] : memref<256x65536xf32, #tpu.memory_space<hbm>> -> memref<256x2048xf32, #tpu.memory_space<hbm>>
    tpu.wait_indirect_dma semaphore(%arg7 : memref<!tpu.dma_semaphore, #tpu.memory_space<semaphore_mem>>) src(%dma_wait3A_160 : memref<256x2048xf32, #tpu.memory_space<hbm>>) dst(%dma_wait3A_156 : memref<8x2048xf32, #tpu.memory_space<vmem>>)
    %dma_start3A_161 = arith.constant 3 : i32
    %dma_start3A_162 = arith.constant 0 : i32
    %dma_start3A_163 = arith.constant 0 : i32
    %dma_start3A_164 = tpu.memref_slice %arg6[%dma_start3A_161, %dma_start3A_162, %dma_start3A_163] : memref<7x8x2048xf32, #tpu.memory_space<vmem>> -> memref<1x8x2048xf32, #tpu.memory_space<vmem>>
    %dma_start3A_165 = tpu.memref_squeeze %dma_start3A_164 : memref<1x8x2048xf32, #tpu.memory_space<vmem>> -> memref<8x2048xf32, #tpu.memory_space<vmem>>
    %dma_start3A_166 = arith.constant 24 : i32
    %dma_start3A_167 = tpu.memref_slice %arg4[%dma_start3A_166, %mul3A_2] : memref<64x65536xf32, #tpu.memory_space<hbm>> -> memref<8x2048xf32, #tpu.memory_space<hbm>>
    %dma_start3A_168 = arith.constant 24 : i32
    %dma_start3A_169 = tpu.memref_slice %arg4[%dma_start3A_168, %mul3A_2] : memref<64x65536xf32, #tpu.memory_space<hbm>> -> memref<8x2048xf32, #tpu.memory_space<hbm>>
    %dma_start3A_170 = arith.constant 0 : i32
    %dma_start3A_171 = arith.constant 0 : i32
    %dma_start3A_172 = tpu.memref_slice %arg6[%dma_start3A_161, %dma_start3A_170, %dma_start3A_171] : memref<7x8x2048xf32, #tpu.memory_space<vmem>> -> memref<1x8x2048xf32, #tpu.memory_space<vmem>>
    %dma_start3A_173 = tpu.memref_squeeze %dma_start3A_172 : memref<1x8x2048xf32, #tpu.memory_space<vmem>> -> memref<8x2048xf32, #tpu.memory_space<vmem>>
    tpu.enqueue_dma source(%dma_start3A_173 : memref<8x2048xf32, #tpu.memory_space<vmem>>) target(%dma_start3A_169 : memref<8x2048xf32, #tpu.memory_space<hbm>>) target_semaphore(%arg8 : memref<!tpu.dma_semaphore, #tpu.memory_space<semaphore_mem>>)
    %dma_wait3A_174 = arith.constant 4 : i32
    %dma_wait3A_175 = arith.constant 0 : i32
    %dma_wait3A_176 = arith.constant 0 : i32
    %dma_wait3A_177 = tpu.memref_slice %arg6[%dma_wait3A_174, %dma_wait3A_175, %dma_wait3A_176] : memref<7x8x2048xf32, #tpu.memory_space<vmem>> -> memref<1x8x2048xf32, #tpu.memory_space<vmem>>
    %dma_wait3A_178 = tpu.memref_squeeze %dma_wait3A_177 : memref<1x8x2048xf32, #tpu.memory_space<vmem>> -> memref<8x2048xf32, #tpu.memory_space<vmem>>
    %dma_wait3A_179 = arith.constant 32 : i32
    %dma_wait3A_180 = tpu.memref_slice %arg5[%dma_wait3A_179] : memref<64xi32, #tpu.memory_space<vmem>> -> memref<8xi32, #tpu.memory_space<vmem>>
    %dma_wait3A_181 = arith.constant 0 : i32
    %dma_wait3A_182 = tpu.memref_slice %arg2[%dma_wait3A_181, %mul3A_2] : memref<256x65536xf32, #tpu.memory_space<hbm>> -> memref<256x2048xf32, #tpu.memory_space<hbm>>
    tpu.wait_indirect_dma semaphore(%arg7 : memref<!tpu.dma_semaphore, #tpu.memory_space<semaphore_mem>>) src(%dma_wait3A_182 : memref<256x2048xf32, #tpu.memory_space<hbm>>) dst(%dma_wait3A_178 : memref<8x2048xf32, #tpu.memory_space<vmem>>)
    %dma_start3A_183 = arith.constant 4 : i32
    %dma_start3A_184 = arith.constant 0 : i32
    %dma_start3A_185 = arith.constant 0 : i32
    %dma_start3A_186 = tpu.memref_slice %arg6[%dma_start3A_183, %dma_start3A_184, %dma_start3A_185] : memref<7x8x2048xf32, #tpu.memory_space<vmem>> -> memref<1x8x2048xf32, #tpu.memory_space<vmem>>
    %dma_start3A_187 = tpu.memref_squeeze %dma_start3A_186 : memref<1x8x2048xf32, #tpu.memory_space<vmem>> -> memref<8x2048xf32, #tpu.memory_space<vmem>>
    %dma_start3A_188 = arith.constant 32 : i32
    %dma_start3A_189 = tpu.memref_slice %arg4[%dma_start3A_188, %mul3A_2] : memref<64x65536xf32, #tpu.memory_space<hbm>> -> memref<8x2048xf32, #tpu.memory_space<hbm>>
    %dma_start3A_190 = arith.constant 32 : i32
    %dma_start3A_191 = tpu.memref_slice %arg4[%dma_start3A_190, %mul3A_2] : memref<64x65536xf32, #tpu.memory_space<hbm>> -> memref<8x2048xf32, #tpu.memory_space<hbm>>
    %dma_start3A_192 = arith.constant 0 : i32
    %dma_start3A_193 = arith.constant 0 : i32
    %dma_start3A_194 = tpu.memref_slice %arg6[%dma_start3A_183, %dma_start3A_192, %dma_start3A_193] : memref<7x8x2048xf32, #tpu.memory_space<vmem>> -> memref<1x8x2048xf32, #tpu.memory_space<vmem>>
    %dma_start3A_195 = tpu.memref_squeeze %dma_start3A_194 : memref<1x8x2048xf32, #tpu.memory_space<vmem>> -> memref<8x2048xf32, #tpu.memory_space<vmem>>
    tpu.enqueue_dma source(%dma_start3A_195 : memref<8x2048xf32, #tpu.memory_space<vmem>>) target(%dma_start3A_191 : memref<8x2048xf32, #tpu.memory_space<hbm>>) target_semaphore(%arg8 : memref<!tpu.dma_semaphore, #tpu.memory_space<semaphore_mem>>)
    %dma_wait3A_196 = arith.constant 5 : i32
    %dma_wait3A_197 = arith.constant 0 : i32
    %dma_wait3A_198 = arith.constant 0 : i32
    %dma_wait3A_199 = tpu.memref_slice %arg6[%dma_wait3A_196, %dma_wait3A_197, %dma_wait3A_198] : memref<7x8x2048xf32, #tpu.memory_space<vmem>> -> memref<1x8x2048xf32, #tpu.memory_space<vmem>>
    %dma_wait3A_200 = tpu.memref_squeeze %dma_wait3A_199 : memref<1x8x2048xf32, #tpu.memory_space<vmem>> -> memref<8x2048xf32, #tpu.memory_space<vmem>>
    %dma_wait3A_201 = arith.constant 40 : i32
    %dma_wait3A_202 = tpu.memref_slice %arg5[%dma_wait3A_201] : memref<64xi32, #tpu.memory_space<vmem>> -> memref<8xi32, #tpu.memory_space<vmem>>
    %dma_wait3A_203 = arith.constant 0 : i32
    %dma_wait3A_204 = tpu.memref_slice %arg2[%dma_wait3A_203, %mul3A_2] : memref<256x65536xf32, #tpu.memory_space<hbm>> -> memref<256x2048xf32, #tpu.memory_space<hbm>>
    tpu.wait_indirect_dma semaphore(%arg7 : memref<!tpu.dma_semaphore, #tpu.memory_space<semaphore_mem>>) src(%dma_wait3A_204 : memref<256x2048xf32, #tpu.memory_space<hbm>>) dst(%dma_wait3A_200 : memref<8x2048xf32, #tpu.memory_space<vmem>>)
    %dma_start3A_205 = arith.constant 5 : i32
    %dma_start3A_206 = arith.constant 0 : i32
    %dma_start3A_207 = arith.constant 0 : i32
    %dma_start3A_208 = tpu.memref_slice %arg6[%dma_start3A_205, %dma_start3A_206, %dma_start3A_207] : memref<7x8x2048xf32, #tpu.memory_space<vmem>> -> memref<1x8x2048xf32, #tpu.memory_space<vmem>>
    %dma_start3A_209 = tpu.memref_squeeze %dma_start3A_208 : memref<1x8x2048xf32, #tpu.memory_space<vmem>> -> memref<8x2048xf32, #tpu.memory_space<vmem>>
    %dma_start3A_210 = arith.constant 40 : i32
    %dma_start3A_211 = tpu.memref_slice %arg4[%dma_start3A_210, %mul3A_2] : memref<64x65536xf32, #tpu.memory_space<hbm>> -> memref<8x2048xf32, #tpu.memory_space<hbm>>
    %dma_start3A_212 = arith.constant 40 : i32
    %dma_start3A_213 = tpu.memref_slice %arg4[%dma_start3A_212, %mul3A_2] : memref<64x65536xf32, #tpu.memory_space<hbm>> -> memref<8x2048xf32, #tpu.memory_space<hbm>>
    %dma_start3A_214 = arith.constant 0 : i32
    %dma_start3A_215 = arith.constant 0 : i32
    %dma_start3A_216 = tpu.memref_slice %arg6[%dma_start3A_205, %dma_start3A_214, %dma_start3A_215] : memref<7x8x2048xf32, #tpu.memory_space<vmem>> -> memref<1x8x2048xf32, #tpu.memory_space<vmem>>
    %dma_start3A_217 = tpu.memref_squeeze %dma_start3A_216 : memref<1x8x2048xf32, #tpu.memory_space<vmem>> -> memref<8x2048xf32, #tpu.memory_space<vmem>>
    tpu.enqueue_dma source(%dma_start3A_217 : memref<8x2048xf32, #tpu.memory_space<vmem>>) target(%dma_start3A_213 : memref<8x2048xf32, #tpu.memory_space<hbm>>) target_semaphore(%arg8 : memref<!tpu.dma_semaphore, #tpu.memory_space<semaphore_mem>>)
    %dma_wait3A_218 = arith.constant 6 : i32
    %dma_wait3A_219 = arith.constant 0 : i32
    %dma_wait3A_220 = arith.constant 0 : i32
    %dma_wait3A_221 = tpu.memref_slice %arg6[%dma_wait3A_218, %dma_wait3A_219, %dma_wait3A_220] : memref<7x8x2048xf32, #tpu.memory_space<vmem>> -> memref<1x8x2048xf32, #tpu.memory_space<vmem>>
    %dma_wait3A_222 = tpu.memref_squeeze %dma_wait3A_221 : memref<1x8x2048xf32, #tpu.memory_space<vmem>> -> memref<8x2048xf32, #tpu.memory_space<vmem>>
    %dma_wait3A_223 = arith.constant 48 : i32
    %dma_wait3A_224 = tpu.memref_slice %arg5[%dma_wait3A_223] : memref<64xi32, #tpu.memory_space<vmem>> -> memref<8xi32, #tpu.memory_space<vmem>>
    %dma_wait3A_225 = arith.constant 0 : i32
    %dma_wait3A_226 = tpu.memref_slice %arg2[%dma_wait3A_225, %mul3A_2] : memref<256x65536xf32, #tpu.memory_space<hbm>> -> memref<256x2048xf32, #tpu.memory_space<hbm>>
    tpu.wait_indirect_dma semaphore(%arg7 : memref<!tpu.dma_semaphore, #tpu.memory_space<semaphore_mem>>) src(%dma_wait3A_226 : memref<256x2048xf32, #tpu.memory_space<hbm>>) dst(%dma_wait3A_222 : memref<8x2048xf32, #tpu.memory_space<vmem>>)
    %dma_start3A_227 = arith.constant 6 : i32
    %dma_start3A_228 = arith.constant 0 : i32
    %dma_start3A_229 = arith.constant 0 : i32
    %dma_start3A_230 = tpu.memref_slice %arg6[%dma_start3A_227, %dma_start3A_228, %dma_start3A_229] : memref<7x8x2048xf32, #tpu.memory_space<vmem>> -> memref<1x8x2048xf32, #tpu.memory_space<vmem>>
    %dma_start3A_231 = tpu.memref_squeeze %dma_start3A_230 : memref<1x8x2048xf32, #tpu.memory_space<vmem>> -> memref<8x2048xf32, #tpu.memory_space<vmem>>
    %dma_start3A_232 = arith.constant 48 : i32
    %dma_start3A_233 = tpu.memref_slice %arg4[%dma_start3A_232, %mul3A_2] : memref<64x65536xf32, #tpu.memory_space<hbm>> -> memref<8x2048xf32, #tpu.memory_space<hbm>>
    %dma_start3A_234 = arith.constant 48 : i32
    %dma_start3A_235 = tpu.memref_slice %arg4[%dma_start3A_234, %mul3A_2] : memref<64x65536xf32, #tpu.memory_space<hbm>> -> memref<8x2048xf32, #tpu.memory_space<hbm>>
    %dma_start3A_236 = arith.constant 0 : i32
    %dma_start3A_237 = arith.constant 0 : i32
    %dma_start3A_238 = tpu.memref_slice %arg6[%dma_start3A_227, %dma_start3A_236, %dma_start3A_237] : memref<7x8x2048xf32, #tpu.memory_space<vmem>> -> memref<1x8x2048xf32, #tpu.memory_space<vmem>>
    %dma_start3A_239 = tpu.memref_squeeze %dma_start3A_238 : memref<1x8x2048xf32, #tpu.memory_space<vmem>> -> memref<8x2048xf32, #tpu.memory_space<vmem>>
    tpu.enqueue_dma source(%dma_start3A_239 : memref<8x2048xf32, #tpu.memory_space<vmem>>) target(%dma_start3A_235 : memref<8x2048xf32, #tpu.memory_space<hbm>>) target_semaphore(%arg8 : memref<!tpu.dma_semaphore, #tpu.memory_space<semaphore_mem>>)
    %dma_wait3A_240 = arith.constant 0 : i32
    %dma_wait3A_241 = arith.constant 0 : i32
    %dma_wait3A_242 = arith.constant 0 : i32
    %dma_wait3A_243 = tpu.memref_slice %arg6[%dma_wait3A_240, %dma_wait3A_241, %dma_wait3A_242] : memref<7x8x2048xf32, #tpu.memory_space<vmem>> -> memref<1x8x2048xf32, #tpu.memory_space<vmem>>
    %dma_wait3A_244 = tpu.memref_squeeze %dma_wait3A_243 : memref<1x8x2048xf32, #tpu.memory_space<vmem>> -> memref<8x2048xf32, #tpu.memory_space<vmem>>
    %dma_wait3A_245 = arith.constant 56 : i32
    %dma_wait3A_246 = tpu.memref_slice %arg5[%dma_wait3A_245] : memref<64xi32, #tpu.memory_space<vmem>> -> memref<8xi32, #tpu.memory_space<vmem>>
    %dma_wait3A_247 = arith.constant 0 : i32
    %dma_wait3A_248 = tpu.memref_slice %arg2[%dma_wait3A_247, %mul3A_2] : memref<256x65536xf32, #tpu.memory_space<hbm>> -> memref<256x2048xf32, #tpu.memory_space<hbm>>
    tpu.wait_indirect_dma semaphore(%arg7 : memref<!tpu.dma_semaphore, #tpu.memory_space<semaphore_mem>>) src(%dma_wait3A_248 : memref<256x2048xf32, #tpu.memory_space<hbm>>) dst(%dma_wait3A_244 : memref<8x2048xf32, #tpu.memory_space<vmem>>)
    %dma_start3A_249 = arith.constant 0 : i32
    %dma_start3A_250 = arith.constant 0 : i32
    %dma_start3A_251 = arith.constant 0 : i32
    %dma_start3A_252 = tpu.memref_slice %arg6[%dma_start3A_249, %dma_start3A_250, %dma_start3A_251] : memref<7x8x2048xf32, #tpu.memory_space<vmem>> -> memref<1x8x2048xf32, #tpu.memory_space<vmem>>
    %dma_start3A_253 = tpu.memref_squeeze %dma_start3A_252 : memref<1x8x2048xf32, #tpu.memory_space<vmem>> -> memref<8x2048xf32, #tpu.memory_space<vmem>>
    %dma_start3A_254 = arith.constant 56 : i32
    %dma_start3A_255 = tpu.memref_slice %arg4[%dma_start3A_254, %mul3A_2] : memref<64x65536xf32, #tpu.memory_space<hbm>> -> memref<8x2048xf32, #tpu.memory_space<hbm>>
    %dma_start3A_256 = arith.constant 56 : i32
    %dma_start3A_257 = tpu.memref_slice %arg4[%dma_start3A_256, %mul3A_2] : memref<64x65536xf32, #tpu.memory_space<hbm>> -> memref<8x2048xf32, #tpu.memory_space<hbm>>
    %dma_start3A_258 = arith.constant 0 : i32
    %dma_start3A_259 = arith.constant 0 : i32
    %dma_start3A_260 = tpu.memref_slice %arg6[%dma_start3A_249, %dma_start3A_258, %dma_start3A_259] : memref<7x8x2048xf32, #tpu.memory_space<vmem>> -> memref<1x8x2048xf32, #tpu.memory_space<vmem>>
    %dma_start3A_261 = tpu.memref_squeeze %dma_start3A_260 : memref<1x8x2048xf32, #tpu.memory_space<vmem>> -> memref<8x2048xf32, #tpu.memory_space<vmem>>
    tpu.enqueue_dma source(%dma_start3A_261 : memref<8x2048xf32, #tpu.memory_space<vmem>>) target(%dma_start3A_257 : memref<8x2048xf32, #tpu.memory_space<hbm>>) target_semaphore(%arg8 : memref<!tpu.dma_semaphore, #tpu.memory_space<semaphore_mem>>)
    %dma_wait3A_262 = arith.constant 1 : i32
    %dma_wait3A_263 = arith.constant 0 : i32
    %dma_wait3A_264 = arith.constant 0 : i32
    %dma_wait3A_265 = tpu.memref_slice %arg6[%dma_wait3A_262, %dma_wait3A_263, %dma_wait3A_264] : memref<7x8x2048xf32, #tpu.memory_space<vmem>> -> memref<1x8x2048xf32, #tpu.memory_space<vmem>>
    %dma_wait3A_266 = tpu.memref_squeeze %dma_wait3A_265 : memref<1x8x2048xf32, #tpu.memory_space<vmem>> -> memref<8x2048xf32, #tpu.memory_space<vmem>>
    %dma_wait3A_267 = arith.constant 8 : i32
    %dma_wait3A_268 = tpu.memref_slice %arg4[%dma_wait3A_267, %mul3A_2] : memref<64x65536xf32, #tpu.memory_space<hbm>> -> memref<8x2048xf32, #tpu.memory_space<hbm>>
    %dma_wait3A_269 = arith.constant 8 : i32
    %dma_wait3A_270 = tpu.memref_slice %arg4[%dma_wait3A_269, %mul3A_2] : memref<64x65536xf32, #tpu.memory_space<hbm>> -> memref<8x2048xf32, #tpu.memory_space<hbm>>
    %dma_wait3A_271 = arith.constant 0 : i32
    %dma_wait3A_272 = arith.constant 0 : i32
    %dma_wait3A_273 = tpu.memref_slice %arg6[%dma_wait3A_262, %dma_wait3A_271, %dma_wait3A_272] : memref<7x8x2048xf32, #tpu.memory_space<vmem>> -> memref<1x8x2048xf32, #tpu.memory_space<vmem>>
    %dma_wait3A_274 = tpu.memref_squeeze %dma_wait3A_273 : memref<1x8x2048xf32, #tpu.memory_space<vmem>> -> memref<8x2048xf32, #tpu.memory_space<vmem>>
    tpu.wait_dma2 semaphore(%arg8 : memref<!tpu.dma_semaphore, #tpu.memory_space<semaphore_mem>>) src(%dma_wait3A_274 : memref<8x2048xf32, #tpu.memory_space<vmem>>) dst(%dma_wait3A_270 : memref<8x2048xf32, #tpu.memory_space<hbm>>)
    %dma_wait3A_275 = arith.constant 2 : i32
    %dma_wait3A_276 = arith.constant 0 : i32
    %dma_wait3A_277 = arith.constant 0 : i32
    %dma_wait3A_278 = tpu.memref_slice %arg6[%dma_wait3A_275, %dma_wait3A_276, %dma_wait3A_277] : memref<7x8x2048xf32, #tpu.memory_space<vmem>> -> memref<1x8x2048xf32, #tpu.memory_space<vmem>>
    %dma_wait3A_279 = tpu.memref_squeeze %dma_wait3A_278 : memref<1x8x2048xf32, #tpu.memory_space<vmem>> -> memref<8x2048xf32, #tpu.memory_space<vmem>>
    %dma_wait3A_280 = arith.constant 16 : i32
    %dma_wait3A_281 = tpu.memref_slice %arg4[%dma_wait3A_280, %mul3A_2] : memref<64x65536xf32, #tpu.memory_space<hbm>> -> memref<8x2048xf32, #tpu.memory_space<hbm>>
    %dma_wait3A_282 = arith.constant 16 : i32
    %dma_wait3A_283 = tpu.memref_slice %arg4[%dma_wait3A_282, %mul3A_2] : memref<64x65536xf32, #tpu.memory_space<hbm>> -> memref<8x2048xf32, #tpu.memory_space<hbm>>
    %dma_wait3A_284 = arith.constant 0 : i32
    %dma_wait3A_285 = arith.constant 0 : i32
    %dma_wait3A_286 = tpu.memref_slice %arg6[%dma_wait3A_275, %dma_wait3A_284, %dma_wait3A_285] : memref<7x8x2048xf32, #tpu.memory_space<vmem>> -> memref<1x8x2048xf32, #tpu.memory_space<vmem>>
    %dma_wait3A_287 = tpu.memref_squeeze %dma_wait3A_286 : memref<1x8x2048xf32, #tpu.memory_space<vmem>> -> memref<8x2048xf32, #tpu.memory_space<vmem>>
    tpu.wait_dma2 semaphore(%arg8 : memref<!tpu.dma_semaphore, #tpu.memory_space<semaphore_mem>>) src(%dma_wait3A_287 : memref<8x2048xf32, #tpu.memory_space<vmem>>) dst(%dma_wait3A_283 : memref<8x2048xf32, #tpu.memory_space<hbm>>)
    %dma_wait3A_288 = arith.constant 3 : i32
    %dma_wait3A_289 = arith.constant 0 : i32
    %dma_wait3A_290 = arith.constant 0 : i32
    %dma_wait3A_291 = tpu.memref_slice %arg6[%dma_wait3A_288, %dma_wait3A_289, %dma_wait3A_290] : memref<7x8x2048xf32, #tpu.memory_space<vmem>> -> memref<1x8x2048xf32, #tpu.memory_space<vmem>>
    %dma_wait3A_292 = tpu.memref_squeeze %dma_wait3A_291 : memref<1x8x2048xf32, #tpu.memory_space<vmem>> -> memref<8x2048xf32, #tpu.memory_space<vmem>>
    %dma_wait3A_293 = arith.constant 24 : i32
    %dma_wait3A_294 = tpu.memref_slice %arg4[%dma_wait3A_293, %mul3A_2] : memref<64x65536xf32, #tpu.memory_space<hbm>> -> memref<8x2048xf32, #tpu.memory_space<hbm>>
    %dma_wait3A_295 = arith.constant 24 : i32
    %dma_wait3A_296 = tpu.memref_slice %arg4[%dma_wait3A_295, %mul3A_2] : memref<64x65536xf32, #tpu.memory_space<hbm>> -> memref<8x2048xf32, #tpu.memory_space<hbm>>
    %dma_wait3A_297 = arith.constant 0 : i32
    %dma_wait3A_298 = arith.constant 0 : i32
    %dma_wait3A_299 = tpu.memref_slice %arg6[%dma_wait3A_288, %dma_wait3A_297, %dma_wait3A_298] : memref<7x8x2048xf32, #tpu.memory_space<vmem>> -> memref<1x8x2048xf32, #tpu.memory_space<vmem>>
    %dma_wait3A_300 = tpu.memref_squeeze %dma_wait3A_299 : memref<1x8x2048xf32, #tpu.memory_space<vmem>> -> memref<8x2048xf32, #tpu.memory_space<vmem>>
    tpu.wait_dma2 semaphore(%arg8 : memref<!tpu.dma_semaphore, #tpu.memory_space<semaphore_mem>>) src(%dma_wait3A_300 : memref<8x2048xf32, #tpu.memory_space<vmem>>) dst(%dma_wait3A_296 : memref<8x2048xf32, #tpu.memory_space<hbm>>)
    %dma_wait3A_301 = arith.constant 4 : i32
    %dma_wait3A_302 = arith.constant 0 : i32
    %dma_wait3A_303 = arith.constant 0 : i32
    %dma_wait3A_304 = tpu.memref_slice %arg6[%dma_wait3A_301, %dma_wait3A_302, %dma_wait3A_303] : memref<7x8x2048xf32, #tpu.memory_space<vmem>> -> memref<1x8x2048xf32, #tpu.memory_space<vmem>>
    %dma_wait3A_305 = tpu.memref_squeeze %dma_wait3A_304 : memref<1x8x2048xf32, #tpu.memory_space<vmem>> -> memref<8x2048xf32, #tpu.memory_space<vmem>>
    %dma_wait3A_306 = arith.constant 32 : i32
    %dma_wait3A_307 = tpu.memref_slice %arg4[%dma_wait3A_306, %mul3A_2] : memref<64x65536xf32, #tpu.memory_space<hbm>> -> memref<8x2048xf32, #tpu.memory_space<hbm>>
    %dma_wait3A_308 = arith.constant 32 : i32
    %dma_wait3A_309 = tpu.memref_slice %arg4[%dma_wait3A_308, %mul3A_2] : memref<64x65536xf32, #tpu.memory_space<hbm>> -> memref<8x2048xf32, #tpu.memory_space<hbm>>
    %dma_wait3A_310 = arith.constant 0 : i32
    %dma_wait3A_311 = arith.constant 0 : i32
    %dma_wait3A_312 = tpu.memref_slice %arg6[%dma_wait3A_301, %dma_wait3A_310, %dma_wait3A_311] : memref<7x8x2048xf32, #tpu.memory_space<vmem>> -> memref<1x8x2048xf32, #tpu.memory_space<vmem>>
    %dma_wait3A_313 = tpu.memref_squeeze %dma_wait3A_312 : memref<1x8x2048xf32, #tpu.memory_space<vmem>> -> memref<8x2048xf32, #tpu.memory_space<vmem>>
    tpu.wait_dma2 semaphore(%arg8 : memref<!tpu.dma_semaphore, #tpu.memory_space<semaphore_mem>>) src(%dma_wait3A_313 : memref<8x2048xf32, #tpu.memory_space<vmem>>) dst(%dma_wait3A_309 : memref<8x2048xf32, #tpu.memory_space<hbm>>)
    %dma_wait3A_314 = arith.constant 5 : i32
    %dma_wait3A_315 = arith.constant 0 : i32
    %dma_wait3A_316 = arith.constant 0 : i32
    %dma_wait3A_317 = tpu.memref_slice %arg6[%dma_wait3A_314, %dma_wait3A_315, %dma_wait3A_316] : memref<7x8x2048xf32, #tpu.memory_space<vmem>> -> memref<1x8x2048xf32, #tpu.memory_space<vmem>>
    %dma_wait3A_318 = tpu.memref_squeeze %dma_wait3A_317 : memref<1x8x2048xf32, #tpu.memory_space<vmem>> -> memref<8x2048xf32, #tpu.memory_space<vmem>>
    %dma_wait3A_319 = arith.constant 40 : i32
    %dma_wait3A_320 = tpu.memref_slice %arg4[%dma_wait3A_319, %mul3A_2] : memref<64x65536xf32, #tpu.memory_space<hbm>> -> memref<8x2048xf32, #tpu.memory_space<hbm>>
    %dma_wait3A_321 = arith.constant 40 : i32
    %dma_wait3A_322 = tpu.memref_slice %arg4[%dma_wait3A_321, %mul3A_2] : memref<64x65536xf32, #tpu.memory_space<hbm>> -> memref<8x2048xf32, #tpu.memory_space<hbm>>
    %dma_wait3A_323 = arith.constant 0 : i32
    %dma_wait3A_324 = arith.constant 0 : i32
    %dma_wait3A_325 = tpu.memref_slice %arg6[%dma_wait3A_314, %dma_wait3A_323, %dma_wait3A_324] : memref<7x8x2048xf32, #tpu.memory_space<vmem>> -> memref<1x8x2048xf32, #tpu.memory_space<vmem>>
    %dma_wait3A_326 = tpu.memref_squeeze %dma_wait3A_325 : memref<1x8x2048xf32, #tpu.memory_space<vmem>> -> memref<8x2048xf32, #tpu.memory_space<vmem>>
    tpu.wait_dma2 semaphore(%arg8 : memref<!tpu.dma_semaphore, #tpu.memory_space<semaphore_mem>>) src(%dma_wait3A_326 : memref<8x2048xf32, #tpu.memory_space<vmem>>) dst(%dma_wait3A_322 : memref<8x2048xf32, #tpu.memory_space<hbm>>)
    %dma_wait3A_327 = arith.constant 6 : i32
    %dma_wait3A_328 = arith.constant 0 : i32
    %dma_wait3A_329 = arith.constant 0 : i32
    %dma_wait3A_330 = tpu.memref_slice %arg6[%dma_wait3A_327, %dma_wait3A_328, %dma_wait3A_329] : memref<7x8x2048xf32, #tpu.memory_space<vmem>> -> memref<1x8x2048xf32, #tpu.memory_space<vmem>>
    %dma_wait3A_331 = tpu.memref_squeeze %dma_wait3A_330 : memref<1x8x2048xf32, #tpu.memory_space<vmem>> -> memref<8x2048xf32, #tpu.memory_space<vmem>>
    %dma_wait3A_332 = arith.constant 48 : i32
    %dma_wait3A_333 = tpu.memref_slice %arg4[%dma_wait3A_332, %mul3A_2] : memref<64x65536xf32, #tpu.memory_space<hbm>> -> memref<8x2048xf32, #tpu.memory_space<hbm>>
    %dma_wait3A_334 = arith.constant 48 : i32
    %dma_wait3A_335 = tpu.memref_slice %arg4[%dma_wait3A_334, %mul3A_2] : memref<64x65536xf32, #tpu.memory_space<hbm>> -> memref<8x2048xf32, #tpu.memory_space<hbm>>
    %dma_wait3A_336 = arith.constant 0 : i32
    %dma_wait3A_337 = arith.constant 0 : i32
    %dma_wait3A_338 = tpu.memref_slice %arg6[%dma_wait3A_327, %dma_wait3A_336, %dma_wait3A_337] : memref<7x8x2048xf32, #tpu.memory_space<vmem>> -> memref<1x8x2048xf32, #tpu.memory_space<vmem>>
    %dma_wait3A_339 = tpu.memref_squeeze %dma_wait3A_338 : memref<1x8x2048xf32, #tpu.memory_space<vmem>> -> memref<8x2048xf32, #tpu.memory_space<vmem>>
    tpu.wait_dma2 semaphore(%arg8 : memref<!tpu.dma_semaphore, #tpu.memory_space<semaphore_mem>>) src(%dma_wait3A_339 : memref<8x2048xf32, #tpu.memory_space<vmem>>) dst(%dma_wait3A_335 : memref<8x2048xf32, #tpu.memory_space<hbm>>)
    %dma_wait3A_340 = arith.constant 0 : i32
    %dma_wait3A_341 = arith.constant 0 : i32
    %dma_wait3A_342 = arith.constant 0 : i32
    %dma_wait3A_343 = tpu.memref_slice %arg6[%dma_wait3A_340, %dma_wait3A_341, %dma_wait3A_342] : memref<7x8x2048xf32, #tpu.memory_space<vmem>> -> memref<1x8x2048xf32, #tpu.memory_space<vmem>>
    %dma_wait3A_344 = tpu.memref_squeeze %dma_wait3A_343 : memref<1x8x2048xf32, #tpu.memory_space<vmem>> -> memref<8x2048xf32, #tpu.memory_space<vmem>>
    %dma_wait3A_345 = arith.constant 56 : i32
    %dma_wait3A_346 = tpu.memref_slice %arg4[%dma_wait3A_345, %mul3A_2] : memref<64x65536xf32, #tpu.memory_space<hbm>> -> memref<8x2048xf32, #tpu.memory_space<hbm>>
    %dma_wait3A_347 = arith.constant 56 : i32
    %dma_wait3A_348 = tpu.memref_slice %arg4[%dma_wait3A_347, %mul3A_2] : memref<64x65536xf32, #tpu.memory_space<hbm>> -> memref<8x2048xf32, #tpu.memory_space<hbm>>
    %dma_wait3A_349 = arith.constant 0 : i32
    %dma_wait3A_350 = arith.constant 0 : i32
    %dma_wait3A_351 = tpu.memref_slice %arg6[%dma_wait3A_340, %dma_wait3A_349, %dma_wait3A_350] : memref<7x8x2048xf32, #tpu.memory_space<vmem>> -> memref<1x8x2048xf32, #tpu.memory_space<vmem>>
    %dma_wait3A_352 = tpu.memref_squeeze %dma_wait3A_351 : memref<1x8x2048xf32, #tpu.memory_space<vmem>> -> memref<8x2048xf32, #tpu.memory_space<vmem>>
    tpu.wait_dma2 semaphore(%arg8 : memref<!tpu.dma_semaphore, #tpu.memory_space<semaphore_mem>>) src(%dma_wait3A_352 : memref<8x2048xf32, #tpu.memory_space<vmem>>) dst(%dma_wait3A_348 : memref<8x2048xf32, #tpu.memory_space<hbm>>)
    return
  }
}

</mosaic_0001>

<sc_bundles>
// kernel: kernel.3.cloned.1.call-start
scs
__scs_entry_jumppad:
0x0: {  	(pc) =	sbr.rel $0x88, $3  }
0x1: {  	(tag) =	ssettag $0x0;
	lr =	simm.s32 $0x1  }
0x2: {  	[smem:$0x3F9F] =	sst lr;
	_ =	strace $0xD0000000  }
0x3: {  	_ = 	snop  }
0x4: {  	_ = 	snop  }
0x5: {  	_ = 	snop  }
0x6: {  	_ = 	snop  }
0x7: {  	_ = 	snop  }
__scs_overlays_trampoline_lowered:
0x8: {  	[smem:$0x3FAE] =	sst s0  }
0x9: {  	[smem:$0x3FAF] =	sst s1  }
0xa: {  	[smem:$0x3FB0] =	sst s2  }
0xb: {  	[smem:$0x3FB1] =	sst s3  }
0xc: {  	[smem:$0x3FB2] =	sst s4  }
0xd: {  	[smem:$0x3FB3] =	sst s5  }
0xe: {  	[smem:$0x3FB4] =	sst s6  }
0xf: {  	[smem:$0x3FB5] =	sst s7  }
0x10: {  	[smem:$0x3FB6] =	sst s8  }
0x11: {  	[smem:$0x3FB7] =	sst s9;
	s0 =	simm.s32 @!p0 $0x0  }
0x12: {  	s1 =	sld [smem:$0x3F9D];
	s0 =	simm.s32 @p0 $0x1  }
0x13: {  	[smem:$0x3FB8] =	sst s0;
	s0 =	simm.s32 @!p1 $0x0  }
0x14: {  	s2 =	sld [smem:$0x3F9C];
	s0 =	simm.s32 @p1 $0x1  }
0x15: {  	[smem:$0x3FB9] =	sst s0;
	s0 =	simm.s32 @!p2 $0x0  }
0x16: {  	s3 =	sld [smem:$0x3FDB];
	s0 =	simm.s32 @p2 $0x1  }
0x17: {  	s4 =	simm.s32 $0x1BF5;
	[smem:$0x3FBB] =	sst s0  }
0x18: {  	s0 =	sld [smem:$0x3F9E];
	_ =	swait.ge [sflag:s4], $0x0  }
0x19: {  	s7 =	sld [smem:$0x3F9F]  }
0x1a: {  	s8 =	sadd.s32 $0xFFFFE003, lr  }
0x1b: {  	s9 =	sadd.s32 $0xFFFFFEF7, lr;
	s5 =	simm.s32 $0xFFFFFFFF;
	p2 =	slt.u32 s8, $0xFFFFF086  }
0x1c: {  	p1 =	slt.u32 s9, $0xF7A;
	s5 =	simm.s32 @!p2 $0x0  }
0x1d: {  	s5 =	simm.s32 @p1 $0x1;
	p0 =	seq.s32 s7, s2  }
0x1e: {  	s7 =	smul.u32 @!p0 $0xF7A, s2;
	p2 =	seq.s32 @!p0 s5, $0x0  }
0x1f: {  	s9 =	smul.u32 $0xF7A, s1;
	s8 =	simm.s32 @!p0 $0x1BF5;
	p2 =	por !p2, p0  }
0x20: {  	[sflag:s8] =	ssyncset.s32 @!p0 $0xFFFFF086;
	s6 =	sadd.s32 @!p0 s3, s7;
	s7 =	simm.s32 @!p0 $0x108  }
0x21: {  	s3 =	sadd.s32 s3, s9;
	s6 =	sadd.s32 @!p0 $0x88, s6;
	s7 =	simm.s32 @p2 $0x1082  }
0x22: {  	[simem:s7], [sflag:s8] =	dma.local @!p0 [hbm:s6], $0xF7A  }
0x23: {  	s9 =	sor.u32 $0xD0000000, s2;
	s6 =	simm.s32 $0x108;
	_ =	swait.ge @!p0 [sflag:s8], $0x0  }
0x24: {  	s3 =	sadd.s32 $0x88, s3;
	s6 =	simm.s32 @!p1 $0x1082;
	[sflag:s4] =	ssyncset.s32 $0xFFFFF086  }
0x25: {  	[simem:s6], [sflag:s4] =	dma.local [hbm:s3], $0xF7A  }
0x26: {  	[smem:$0x3F9F] =	sst s1;
	(tag) =	ssettag s2;
	_ =	strace s9  }
0x27: {  	s1 =	sld [smem:$0x3FAF]  }
0x28: {  	s2 =	sld [smem:$0x3FB0]  }
0x29: {  	s4 =	sld [smem:$0x3FB2]  }
0x2a: {  	p0 =	seq.s32 s5, $0x0;
	s5 =	sld [smem:$0x3FB3]  }
0x2b: {  	s6 =	sld [smem:$0x3FB4]  }
0x2c: {  	s7 =	sld [smem:$0x3FB5]  }
0x2d: {  	s3 =	simm.s32 $0x108;
	s8 =	sld [smem:$0x3FB6]  }
0x2e: {  	s3 =	simm.s32 @!p0 $0x1082;
	s9 =	sld [smem:$0x3FB7]  }
0x2f: {  	lr =	sadd.s32 s0, s3;
	s0 =	sld [smem:$0x3FAE]  }
0x30: {  	s3 =	sld [smem:$0x3FB1]  }
0x31: {  	[smem:$0x3FBA] =	sst s10  }
0x32: {  	s10 =	sld [smem:$0x3FB8];
	_ =	sdelay $0x3  }
0x33: {  	p0 =	seq.s32 s10, $0x1;
	s10 =	sld [smem:$0x3FBA];
	_ =	sdelay $0x3  }
0x34: {  	[smem:$0x3FBA] =	sst s10  }
0x35: {  	s10 =	sld [smem:$0x3FB9];
	_ =	sdelay $0x3  }
0x36: {  	p1 =	seq.s32 s10, $0x1;
	s10 =	sld [smem:$0x3FBA];
	_ =	sdelay $0x3  }
0x37: {  	[smem:$0x3FBA] =	sst s10  }
0x38: {  	s10 =	sld [smem:$0x3FBB]  }
0x39: {  	_ = 	snop;
	(pc) =	sbr.ind lr, $3  }
0x3a: {  	_ = 	snop  }
0x3b: {  	_ = 	snop  }
0x3c: {  	p2 =	seq.s32 s10, $0x1;
	s10 =	sld [smem:$0x3FBA]  }
0x3d: {  	_ =	shalt  }
0x3e: {  	_ =	shalt  }
0x3f: {  	_ =	shalt  }
0x40: {  	_ =	shalt  }
0x41: {  	_ =	shalt  }
0x42: {  	_ =	shalt  }
0x43: {  	_ =	shalt  }
0x44: {  	_ =	shalt  }
0x45: {  	_ =	shalt  }
0x46: {  	_ =	shalt  }
0x47: {  	_ =	shalt  }
0x48: {  	_ =	shalt  }
0x49: {  	_ =	shalt  }
0x4a: {  	_ =	shalt  }
0x4b: {  	_ =	shalt  }
0x4c: {  	_ =	shalt  }
0x4d: {  	_ =	shalt  }
0x4e: {  	_ =	shalt  }
0x4f: {  	_ =	shalt  }
0x50: {  	_ =	shalt  }
0x51: {  	_ =	shalt  }
0x52: {  	_ =	shalt  }
0x53: {  	_ =	shalt  }
0x54: {  	_ =	shalt  }
0x55: {  	_ =	shalt  }
0x56: {  	_ =	shalt  }
0x57: {  	_ =	shalt  }
0x58: {  	_ =	shalt  }
0x59: {  	_ =	shalt  }
0x5a: {  	_ =	shalt  }
0x5b: {  	_ =	shalt  }
0x5c: {  	_ =	shalt  }
0x5d: {  	_ =	shalt  }
0x5e: {  	_ =	shalt  }
0x5f: {  	_ =	shalt  }
0x60: {  	_ =	shalt  }
0x61: {  	_ =	shalt  }
0x62: {  	_ =	shalt  }
0x63: {  	_ =	shalt  }
0x64: {  	_ =	shalt  }
0x65: {  	_ =	shalt  }
0x66: {  	_ =	shalt  }
0x67: {  	_ =	shalt  }
0x68: {  	_ =	shalt  }
0x69: {  	_ =	shalt  }
0x6a: {  	_ =	shalt  }
0x6b: {  	_ =	shalt  }
0x6c: {  	_ =	shalt  }
0x6d: {  	_ =	shalt  }
0x6e: {  	_ =	shalt  }
0x6f: {  	_ =	shalt  }
0x70: {  	_ =	shalt  }
0x71: {  	_ =	shalt  }
0x72: {  	_ =	shalt  }
0x73: {  	_ =	shalt  }
0x74: {  	_ =	shalt  }
0x75: {  	_ =	shalt  }
0x76: {  	_ =	shalt  }
0x77: {  	_ =	shalt  }
0x78: {  	_ =	shalt  }
0x79: {  	_ =	shalt  }
0x7a: {  	_ =	shalt  }
0x7b: {  	_ =	shalt  }
0x7c: {  	_ =	shalt  }
0x7d: {  	_ =	shalt  }
0x7e: {  	_ =	shalt  }
0x7f: {  	_ =	shalt  }
0x80: {  	_ =	shalt  }
0x81: {  	_ =	shalt  }
0x82: {  	_ =	shalt  }
0x83: {  	_ =	shalt  }
0x84: {  	_ =	shalt  }
0x85: {  	_ =	shalt  }
0x86: {  	_ =	shalt  }
0x87: {  	_ =	shalt  }
.Lfunc_end0:
.L_simem_size_0:
called_computation_lowered:
.L_overlay_start_0:
0x88: {  	s2 =	sld [smem:$0x3FD9]  }
0x89: {  	s3 =	sld [smem:$0x3FFE];
	_ =	sdelay $0x1  }
0x8a: {  	s1 =	srdreg.scid  }
0x8b: {  	s0 =	sand.u32 $0x1, s1  }
0x8c: {  	s18 =	sshll.u32 s0, $0xA;
	s2 =	sadd.s32 s3, s2  }
0x8d: {  	s2 =	sadd.s32 s2, s18  }
0x8e: {  	[smem:$0x3FC6] =	sst s2  }
0x8f: {  	_ = 	snop  }
0x90: {  	s2 =	sld [smem:$0x3FC9]  }
0x91: {  	s19 =	sld [smem:$0x3FC8]  }
0x92: {  	s4 =	sld [smem:$0x3FD0];
	(tm) =	ssettm $0x1  }
0x93: {  	s5 =	sld [smem:$0x3FFB];
	_ =	sdelay $0x3  }
0x94: {  	_ =	strace s5  }
0x95: {  	s5 =	sld [smem:$0x3FFC];
	_ =	sdelay $0x3  }
0x96: {  	_ =	strace s5  }
0x97: {  	s5 =	sld [smem:$0x3FFD];
	_ =	sdelay $0x3  }
0x98: {  	_ =	strace s5  }
0x99: {  	_ =	strace $0x8FFFFFFF  }
0x9a: {  	s20 =	sld [smem:$0x3FDB];
	_ =	sdelay $0x1  }
0x9b: {  	s6 =	simm.s32 $_scs_section_size  }
0x9c: {  	s7 =	simm.s32 $_size__tile_overlayer_lowered;
	s8 =	simm.s32 $_tile_overlayer_lowered  }
0x9d: {  	s23 =	simm.s32 $0x1BFF;
	s22 =	sshll.u32 s8, $0x1;
	s5 =	sadd.s32 s6, s20  }
0x9e: {  	s9 =	simm.s32 $0x0;
	s21 =	sshll.u32 s7, $0x1;
	s7 =	sadd.s32 s22, s5  }
0x9f: {  	[timem:s9], [sflag:s23] =	dma.local [hbm:s7], s21  }
0xa0: {  	_ =	swait.ge [sflag:s23], s21  }
0xa1: {  	s6 =	ssub.s32 $0x0, s21;
	[sflag:s23] =	ssyncset.done $0x0  }
0xa2: {  	[sflag:s23] =	ssyncadd.s32 s6;
	_ =	sdelay $0x1  }
0xa3: {  	s24 =	simm.s32 $0x1B8B  }
0xa4: {  	_ =	swait.ge [sflag:s24], $0x1  }
0xa5: {  	[sflag:s24] =	ssyncset.done $0x0  }
0xa6: {  	s25 =	simm.s32 $0x1B8E;
	[sflag:s24] =	ssyncadd.s32 $0xFFFFFFFF  }
0xa7: {  	s26 =	simm.s32 $execute0_lowered;
	[smem:$0x3FD2] =	sst s25  }
0xa8: {  	s6 =	sshll.u32 s26, $0x1;
	_ =	strace $0x80000046;
	[dreg:$0x1] =	wrdreg $0xFFFFFFFF  }
0xa9: {  	s28 =	simm.s32 $_size_execute0_lowered;
	s5 =	sadd.s32 s5, s6;
	[dreg:$0x0] =	wrdreg $0x0  }
0xaa: {  	s6 =	sshll.u32 s28, $0x1;
	[dreg:$0x2] =	wrdreg s5  }
0xab: {  	[dreg:$0x3] =	wrdreg s6  }
0xac: {  	[dreg:$0x4] =	wrdreg $0xC0  }
0xad: {  	_ =	task [dreg:s9], $0x5FFFF  }
0xae: {  	[dreg:$0x1] =	wrdreg $0xFFFFFFFF  }
0xaf: {  	[dreg:$0x0] =	wrdreg $0x60  }
0xb0: {  	[dreg:$0x2] =	wrdreg s2  }
0xb1: {  	[dreg:$0x3] =	wrdreg s19  }
0xb2: {  	[dreg:$0x4] =	wrdreg s4  }
0xb3: {  	[dreg:$0x5] =	wrdreg $0x9  }
0xb4: {  	_ =	task.clear_ibuf [dreg:s9], $0x6FFFF;
	_ =	strace $0x90000046  }
0xb5: {  	s29 =	simm.s32 $0x9;
	_ =	strace $0x80000048  }
0xb6: {  	_ =	swait.ge [sflag:s29], $0x1  }
0xb7: {  	[sflag:s29] =	ssyncadd.s32 $0xFFFFFFFF  }
0xb8: {  	_ =	strace $0x90000048  }
0xb9: {  	_ =	sfence  }
0xba: {  	s30 =	sld [smem:$0x0];
	_ =	sdelay $0x2  }
0xbb: {  	s31 =	sshll.u32 s1, $0xD;
	s1 =	sshrl.u32 s1, $0x2  }
0xbc: {  	s3 =	sand.u32 $0x4000, s31;
	s1 =	sadd.s32 s1, s30  }
0xbd: {  	s0 =	sor.u32 s3, s0;
	s1 =	sshll.u32 s1, $0x11  }
0xbe: {  	s0 =	sor.u32 s1, s0  }
0xbf: {  	s0 =	sadd.s32 $0x8F2B, s0  }
0xc0: {  	[sflag:s0] =	ssyncadd.remote.s32 $0x1  }
0xc1: {  	_ =	sfence.sel $0xFFFF  }
0xc2: {  	[dreg:$0x0] =	wrdreg $0xFFFFFFFF;
	(pc) =	sbr.abs _section_cstart, $3  }
0xc3: {  	[dreg:$0x1] =	wrdreg $0xFFFFFFFF  }
0xc4: {  	_ =	task.clear_ibuf [dreg:s9], $0x2FFFF;
	_ =	strace $0x9FFFFFFF  }
0xc5: {  	(tm) =	ssettm $0x7FFFFFFF  }
tec
execute0_lowered:
.L_overlay_start_1:
0x0: {  	(tag) =	ssettag $0x1  }
0x1: {  	s1 =	rddreg [dreg:$0x0]  }
0x2: {  	s0 =	rddreg [dreg:$0x1]  }
0x3: {  	s2 =	srdreg.scid;
	s3 =	rddreg [dreg:$0x2]  }
0x4: {  	[dreg:$0x4] =	wrdreg s0;
	s4 =	sand.u32 $0x1, s2;
	s2 =	simm.s32 $0x0  }
0x5: {  	s9 =	simm.s32 $0x4880;
	[smem:$0x7FF] =	sst s2  }
0x6: {  	s10 =	simm.s32 $0x5080;
	_ =	strace $0x80000047;
	[dreg:$0xc] =	wrdreg s9  }
0x7: {  	s11 =	simm.s32 $0x5880;
	[dreg:$0xd] =	wrdreg s10  }
0x8: {  	s12 =	simm.s32 $0x6080;
	[dreg:$0xe] =	wrdreg s11  }
0x9: {  	s13 =	simm.s32 $0x6880;
	[dreg:$0xf] =	wrdreg s12  }
0xa: {  	s14 =	simm.s32 $0x7080;
	[dreg:$0x10] =	wrdreg s13  }
0xb: {  	s15 =	simm.s32 $0x7880;
	[dreg:$0x11] =	wrdreg s14  }
0xc: {  	s16 =	simm.s32 $0x8880;
	[dreg:$0x12] =	wrdreg s15  }
0xd: {  	s17 =	simm.s32 $0x9080;
	[dreg:$0x13] =	wrdreg s16  }
0xe: {  	s18 =	simm.s32 $0x9880;
	[dreg:$0x14] =	wrdreg s17  }
0xf: {  	s19 =	simm.s32 $0xA080;
	[dreg:$0x15] =	wrdreg s18  }
0x10: {  	s20 =	simm.s32 $0xA880;
	[dreg:$0x16] =	wrdreg s19  }
0x11: {  	s21 =	simm.s32 $0xB080;
	[dreg:$0x17] =	wrdreg s20  }
0x12: {  	s23 =	stileid.u32;
	s22 =	simm.s32 $0xB880;
	[dreg:$0x18] =	wrdreg s21  }
0x13: {  	s5 =	sshll.u32 s23, $0xC;
	s23 =	simm.s32 $0xC880;
	[dreg:$0x19] =	wrdreg s22  }
0x14: {  	[dreg:$0x1a] =	wrdreg s23;
	s9 =	simm.s32 $0x10880  }
0x15: {  	s10 =	simm.s32 $0x11080;
	[smem:$0x7EB] =	sst s9  }
0x16: {  	s11 =	simm.s32 $0x11880;
	[smem:$0x7EC] =	sst s10  }
0x17: {  	s12 =	simm.s32 $0x12080;
	[smem:$0x7ED] =	sst s11  }
0x18: {  	s13 =	simm.s32 $0x12880;
	[smem:$0x7EE] =	sst s12  }
0x19: {  	s14 =	simm.s32 $0x13080;
	[smem:$0x7EF] =	sst s13  }
0x1a: {  	s15 =	simm.s32 $0x13880;
	[smem:$0x7F0] =	sst s14  }
0x1b: {  	s16 =	simm.s32 $0x14880;
	[smem:$0x7F1] =	sst s15  }
0x1c: {  	s17 =	simm.s32 $0x15080;
	[smem:$0x7F2] =	sst s16  }
0x1d: {  	s18 =	simm.s32 $0x15880;
	[smem:$0x7F3] =	sst s17  }
0x1e: {  	s28 =	simm.s32 $0x18080;
	s19 =	simm.s32 $0x16080;
	[smem:$0x7F4] =	sst s18  }
0x1f: {  	s30 =	simm.s32 $0x1B880;
	s20 =	simm.s32 $0x16880;
	[smem:$0x7F5] =	sst s19  }
0x20: {  	s6 =	sshll.u32 s4, $0xB;
	s21 =	simm.s32 $0x17080;
	[smem:$0x7F6] =	sst s20  }
0x21: {  	s5 =	sor.u32 s6, s5;
	s22 =	simm.s32 $0x17880;
	[smem:$0x7F7] =	sst s21  }
0x22: {  	s23 =	simm.s32 $0x18880;
	s3 =	sadd.s32 s3, s5;
	[smem:$0x7F8] =	sst s22  }
0x23: {  	s31 =	simm.s32 $0x1;
	[smem:$0x7F9] =	sst s23;
	s24 =	sadd.s32 $0x10000, s3  }
0x24: {  	s4 =	ssub.s32 $0x2, s4;
	s25 =	sadd.s32 $0x20000, s3;
	[dreg:$0x5] =	wrdreg s24  }
0x25: {  	s6 =	simm.s32 $0x3;
	s26 =	sadd.s32 $0x30000, s3;
	[dreg:$0x6] =	wrdreg s25  }
0x26: {  	s9 =	simm.s32 $0x880;
	s29 =	sadd.s32 $0x40000, s3;
	[dreg:$0x7] =	wrdreg s26  }
0x27: {  	s11 =	simm.s32 $0x1080;
	s0 =	sadd.s32 $0x50000, s3;
	[dreg:$0x8] =	wrdreg s29  }
0x28: {  	s13 =	simm.s32 $0x1880;
	s7 =	sadd.s32 $0x60000, s3;
	[dreg:$0x9] =	wrdreg s0  }
0x29: {  	s15 =	simm.s32 $0x2080;
	s8 =	sadd.s32 $0x70000, s3;
	[dreg:$0xa] =	wrdreg s7  }
0x2a: {  	s17 =	simm.s32 $0x2880;
	[dreg:$0xb] =	wrdreg s8;
	s24 =	simm.s32 $0xD080  }
0x2b: {  	s19 =	simm.s32 $0x3080;
	s25 =	simm.s32 $0xD880;
	[dreg:$0x1b] =	wrdreg s24  }
0x2c: {  	s21 =	simm.s32 $0x3880;
	s26 =	simm.s32 $0xE080;
	[dreg:$0x1c] =	wrdreg s25  }
0x2d: {  	s22 =	simm.s32 $0x4080;
	s29 =	simm.s32 $0xE880;
	[dreg:$0x1d] =	wrdreg s26  }
0x2e: {  	s23 =	simm.s32 $0x8080;
	s0 =	simm.s32 $0xF080;
	[dreg:$0x1e] =	wrdreg s29  }
0x2f: {  	s7 =	sshrl.u32 s4, $0x1;
	s8 =	simm.s32 $0xF880;
	[dreg:$0x1f] =	wrdreg s0  }
0x30: {  	s7 =	ssub.s32 s4, s7;
	s4 =	sadd.s32 s1, s5;
	[smem:$0x7EA] =	sst s8  }
0x31: {  	s24 =	simm.s32 $0x19080;
	s25 =	simm.s32 $0x19880;
	s26 =	simm.s32 $0x1A080  }
0x32: {  	s29 =	simm.s32 $0x1A880;
	s1 =	simm.s32 $0x2;
	s5 =	smax.u32 s7, $0x1  }
0x33: {  	s7 =	simm.s32 $0x80;
	s8 =	sadd.s32 $0x100, s4;
	s10 =	sadd.s32 $0x200, s4  }
0x34: {  	s12 =	sadd.s32 $0x300, s4;
	s14 =	sadd.s32 $0x400, s4;
	[smem:$0x7FA] =	sst s24  }
0x35: {  	v0 =	vlaneseq.u32;
	s16 =	sadd.s32 $0x500, s4;
	s18 =	sadd.s32 $0x600, s4;
	[smem:$0x7FB] =	sst s25  }
0x36: {  	v1 =	vshrl.u32 v0, $0x3;
	s20 =	sadd.s32 $0x700, s4;
	[smem:$0x7FC] =	sst s26;
	s24 =	simm.s32 $0xC080  }
0x37: {  	vm0 =	vmmov $0xffff;
	v0 =	vand.u32 $0x7, v0;
	v1 =	vmul.u32 $0x8, v1;
	[smem:$0x7FD] =	sst s29;
	s25 =	simm.s32 $0x10080;
	s26 =	simm.s32 $0x14080  }
.LBB2_1:
0x38: {  	s0 =	rddreg [dreg:$0x4]  }
0x39: {  	[tilespmem:s2], [sflag:$0x3] =	stream.linear.gather [hbm4b:s0+s2], $0x80, $0x38;
	[tilespmem:$0x1C080] =	vst v63  }
0x3a: {  	_ =	swait.ge [sflag:s6], $0x80  }
0x3b: {  	[sflag:s6] =	ssyncset.done $0x0  }
0x3c: {  	[sflag:s6] =	ssyncadd.s32 $0xFFFFFF80  }
0x3d: {  	v2 =	vld.msk [tilespmem:$0x0], $0xff;
	_ =	sdelay $0x4  }
0x3e: {  	v3 =	vshll.u32 v2, $0x9  }
0x3f: {  	v2 =	vand.u32 $0x7, v2;
	v3 =	vand.u32 $0xFFFFF000, v3  }
0x40: {  	v2 =	vor.u32 v2, v3  }
0x41: {  	v2 =	vperm.xlane v2, v0;
	_ =	sdelay $0x1  }
0x42: {  	v2 =	vadd.s32 v1, v2;
	_ =	sdelay $0x4  }
0x43: {  	[tilespmem:s7], [sflag:$0x1] =	stream.indirect_vreg.gather [hbm4b:s4+s2], $0x80, v2, vm0, $0xb8;
	[tilespmem:$0x1C080] =	vst v63  }
0x44: {  	_ = 	snop  }
0x45: {  	[tilespmem:s9], [sflag:$0x1] =	stream.indirect_vreg.gather [hbm4b:s8+s2], $0x80, v2, vm0, $0xb8;
	[tilespmem:$0x1C080] =	vst v63  }
0x46: {  	_ = 	snop  }
0x47: {  	[tilespmem:s11], [sflag:$0x1] =	stream.indirect_vreg.gather [hbm4b:s10+s2], $0x80, v2, vm0, $0xb8;
	[tilespmem:$0x1C080] =	vst v63  }
0x48: {  	_ = 	snop  }
0x49: {  	[tilespmem:s13], [sflag:$0x1] =	stream.indirect_vreg.gather [hbm4b:s12+s2], $0x80, v2, vm0, $0xb8;
	[tilespmem:$0x1C080] =	vst v63  }
0x4a: {  	_ = 	snop  }
0x4b: {  	[tilespmem:s15], [sflag:$0x1] =	stream.indirect_vreg.gather [hbm4b:s14+s2], $0x80, v2, vm0, $0xb8;
	[tilespmem:$0x1C080] =	vst v63  }
0x4c: {  	_ = 	snop  }
0x4d: {  	[tilespmem:s17], [sflag:$0x1] =	stream.indirect_vreg.gather [hbm4b:s16+s2], $0x80, v2, vm0, $0xb8;
	[tilespmem:$0x1C080] =	vst v63  }
0x4e: {  	_ = 	snop  }
0x4f: {  	[tilespmem:s19], [sflag:$0x1] =	stream.indirect_vreg.gather [hbm4b:s18+s2], $0x80, v2, vm0, $0xb8;
	[tilespmem:$0x1C080] =	vst v63  }
0x50: {  	_ = 	snop  }
0x51: {  	[tilespmem:s21], [sflag:$0x1] =	stream.indirect_vreg.gather [hbm4b:s20+s2], $0x80, v2, vm0, $0xb8;
	[tilespmem:$0x1C080] =	vst v63  }
0x52: {  	v2 =	vld.msk [tilespmem:$0x8], $0xff;
	_ =	sdelay $0x4  }
0x53: {  	v3 =	vshll.u32 v2, $0x9  }
0x54: {  	v2 =	vand.u32 $0x7, v2;
	v3 =	vand.u32 $0xFFFFF000, v3  }
0x55: {  	v2 =	vor.u32 v2, v3  }
0x56: {  	v2 =	vperm.xlane v2, v0;
	_ =	sdelay $0x1  }
0x57: {  	v2 =	vadd.s32 v1, v2;
	_ =	sdelay $0x4  }
0x58: {  	[tilespmem:s22], [sflag:$0x1] =	stream.indirect_vreg.gather [hbm4b:s4+s2], $0x80, v2, vm0, $0xb8;
	[tilespmem:$0x1C080] =	vst v63  }
0x59: {  	s0 =	rddreg [dreg:$0xc]  }
0x5a: {  	[tilespmem:s0], [sflag:$0x1] =	stream.indirect_vreg.gather [hbm4b:s8+s2], $0x80, v2, vm0, $0xb8;
	[tilespmem:$0x1C080] =	vst v63  }
0x5b: {  	s29 =	rddreg [dreg:$0xd]  }
0x5c: {  	[tilespmem:s29], [sflag:$0x1] =	stream.indirect_vreg.gather [hbm4b:s10+s2], $0x80, v2, vm0, $0xb8;
	[tilespmem:$0x1C080] =	vst v63  }
0x5d: {  	s0 =	rddreg [dreg:$0xe]  }
0x5e: {  	[tilespmem:s0], [sflag:$0x1] =	stream.indirect_vreg.gather [hbm4b:s12+s2], $0x80, v2, vm0, $0xb8;
	[tilespmem:$0x1C080] =	vst v63  }
0x5f: {  	s29 =	rddreg [dreg:$0xf]  }
0x60: {  	[tilespmem:s29], [sflag:$0x1] =	stream.indirect_vreg.gather [hbm4b:s14+s2], $0x80, v2, vm0, $0xb8;
	[tilespmem:$0x1C080] =	vst v63  }
0x61: {  	s0 =	rddreg [dreg:$0x10]  }
0x62: {  	[tilespmem:s0], [sflag:$0x1] =	stream.indirect_vreg.gather [hbm4b:s16+s2], $0x80, v2, vm0, $0xb8;
	[tilespmem:$0x1C080] =	vst v63  }
0x63: {  	s29 =	rddreg [dreg:$0x11]  }
0x64: {  	[tilespmem:s29], [sflag:$0x1] =	stream.indirect_vreg.gather [hbm4b:s18+s2], $0x80, v2, vm0, $0xb8;
	[tilespmem:$0x1C080] =	vst v63  }
0x65: {  	s0 =	rddreg [dreg:$0x12]  }
0x66: {  	[tilespmem:s0], [sflag:$0x1] =	stream.indirect_vreg.gather [hbm4b:s20+s2], $0x80, v2, vm0, $0xb8;
	[tilespmem:$0x1C080] =	vst v63  }
0x67: {  	v2 =	vld.msk [tilespmem:$0x10], $0xff;
	_ =	sdelay $0x4  }
0x68: {  	v3 =	vshll.u32 v2, $0x9  }
0x69: {  	v2 =	vand.u32 $0x7, v2;
	v3 =	vand.u32 $0xFFFFF000, v3  }
0x6a: {  	v2 =	vor.u32 v2, v3  }
0x6b: {  	v2 =	vperm.xlane v2, v0;
	_ =	sdelay $0x1  }
0x6c: {  	v2 =	vadd.s32 v1, v2;
	_ =	sdelay $0x4  }
0x6d: {  	[tilespmem:s23], [sflag:$0x1] =	stream.indirect_vreg.gather [hbm4b:s4+s2], $0x80, v2, vm0, $0xb8;
	[tilespmem:$0x1C080] =	vst v63  }
0x6e: {  	s0 =	rddreg [dreg:$0x13]  }
0x6f: {  	[tilespmem:s0], [sflag:$0x1] =	stream.indirect_vreg.gather [hbm4b:s8+s2], $0x80, v2, vm0, $0xb8;
	[tilespmem:$0x1C080] =	vst v63  }
0x70: {  	s29 =	rddreg [dreg:$0x14]  }
0x71: {  	[tilespmem:s29], [sflag:$0x1] =	stream.indirect_vreg.gather [hbm4b:s10+s2], $0x80, v2, vm0, $0xb8;
	[tilespmem:$0x1C080] =	vst v63  }
0x72: {  	s0 =	rddreg [dreg:$0x15]  }
0x73: {  	[tilespmem:s0], [sflag:$0x1] =	stream.indirect_vreg.gather [hbm4b:s12+s2], $0x80, v2, vm0, $0xb8;
	[tilespmem:$0x1C080] =	vst v63  }
0x74: {  	s29 =	rddreg [dreg:$0x16]  }
0x75: {  	[tilespmem:s29], [sflag:$0x1] =	stream.indirect_vreg.gather [hbm4b:s14+s2], $0x80, v2, vm0, $0xb8;
	[tilespmem:$0x1C080] =	vst v63  }
0x76: {  	s0 =	rddreg [dreg:$0x17]  }
0x77: {  	[tilespmem:s0], [sflag:$0x1] =	stream.indirect_vreg.gather [hbm4b:s16+s2], $0x80, v2, vm0, $0xb8;
	[tilespmem:$0x1C080] =	vst v63  }
0x78: {  	s29 =	rddreg [dreg:$0x18]  }
0x79: {  	[tilespmem:s29], [sflag:$0x1] =	stream.indirect_vreg.gather [hbm4b:s18+s2], $0x80, v2, vm0, $0xb8;
	[tilespmem:$0x1C080] =	vst v63  }
0x7a: {  	s0 =	rddreg [dreg:$0x19]  }
0x7b: {  	[tilespmem:s0], [sflag:$0x1] =	stream.indirect_vreg.gather [hbm4b:s20+s2], $0x80, v2, vm0, $0xb8;
	[tilespmem:$0x1C080] =	vst v63  }
0x7c: {  	v2 =	vld.msk [tilespmem:$0x18], $0xff;
	_ =	sdelay $0x4  }
0x7d: {  	v3 =	vshll.u32 v2, $0x9  }
0x7e: {  	v2 =	vand.u32 $0x7, v2;
	v3 =	vand.u32 $0xFFFFF000, v3  }
0x7f: {  	v2 =	vor.u32 v2, v3  }
0x80: {  	v2 =	vperm.xlane v2, v0;
	_ =	sdelay $0x1  }
0x81: {  	v2 =	vadd.s32 v1, v2;
	_ =	sdelay $0x3  }
0x82: {  	s29 =	rddreg [dreg:$0x1b]  }
0x83: {  	[tilespmem:s24], [sflag:$0x1] =	stream.indirect_vreg.gather [hbm4b:s4+s2], $0x80, v2, vm0, $0xb8;
	[tilespmem:$0x1C080] =	vst v63  }
0x84: {  	s0 =	rddreg [dreg:$0x1a]  }
0x85: {  	[tilespmem:s0], [sflag:$0x1] =	stream.indirect_vreg.gather [hbm4b:s8+s2], $0x80, v2, vm0, $0xb8;
	[tilespmem:$0x1C080] =	vst v63  }
0x86: {  	s0 =	rddreg [dreg:$0x1c]  }
0x87: {  	[tilespmem:s29], [sflag:$0x1] =	stream.indirect_vreg.gather [hbm4b:s10+s2], $0x80, v2, vm0, $0xb8;
	[tilespmem:$0x1C080] =	vst v63  }
0x88: {  	s29 =	rddreg [dreg:$0x1d]  }
0x89: {  	[tilespmem:s0], [sflag:$0x1] =	stream.indirect_vreg.gather [hbm4b:s12+s2], $0x80, v2, vm0, $0xb8;
	[tilespmem:$0x1C080] =	vst v63  }
0x8a: {  	s0 =	rddreg [dreg:$0x1e]  }
0x8b: {  	[tilespmem:s29], [sflag:$0x1] =	stream.indirect_vreg.gather [hbm4b:s14+s2], $0x80, v2, vm0, $0xb8;
	[tilespmem:$0x1C080] =	vst v63  }
0x8c: {  	s29 =	rddreg [dreg:$0x1f]  }
0x8d: {  	[tilespmem:s0], [sflag:$0x1] =	stream.indirect_vreg.gather [hbm4b:s16+s2], $0x80, v2, vm0, $0xb8;
	[tilespmem:$0x1C080] =	vst v63  }
0x8e: {  	s0 =	sld [smem:$0x7EA]  }
0x8f: {  	[tilespmem:s29], [sflag:$0x1] =	stream.indirect_vreg.gather [hbm4b:s18+s2], $0x80, v2, vm0, $0xb8;
	[tilespmem:$0x1C080] =	vst v63  }
0x90: {  	_ = 	snop  }
0x91: {  	[tilespmem:s0], [sflag:$0x1] =	stream.indirect_vreg.gather [hbm4b:s20+s2], $0x80, v2, vm0, $0xb8;
	[tilespmem:$0x1C080] =	vst v63  }
0x92: {  	v2 =	vld.msk [tilespmem:$0x20], $0xff;
	_ =	sdelay $0x4  }
0x93: {  	v3 =	vshll.u32 v2, $0x9  }
0x94: {  	v2 =	vand.u32 $0x7, v2;
	v3 =	vand.u32 $0xFFFFF000, v3  }
0x95: {  	v2 =	vor.u32 v2, v3  }
0x96: {  	v2 =	vperm.xlane v2, v0;
	_ =	sdelay $0x1  }
0x97: {  	v2 =	vadd.s32 v1, v2;
	_ =	sdelay $0x3  }
0x98: {  	s0 =	sld [smem:$0x7EB]  }
0x99: {  	[tilespmem:s25], [sflag:$0x1] =	stream.indirect_vreg.gather [hbm4b:s4+s2], $0x80, v2, vm0, $0xb8;
	[tilespmem:$0x1C080] =	vst v63  }
0x9a: {  	s29 =	sld [smem:$0x7EC]  }
0x9b: {  	[tilespmem:s0], [sflag:$0x1] =	stream.indirect_vreg.gather [hbm4b:s8+s2], $0x80, v2, vm0, $0xb8;
	[tilespmem:$0x1C080] =	vst v63  }
0x9c: {  	s0 =	sld [smem:$0x7ED]  }
0x9d: {  	[tilespmem:s29], [sflag:$0x1] =	stream.indirect_vreg.gather [hbm4b:s10+s2], $0x80, v2, vm0, $0xb8;
	[tilespmem:$0x1C080] =	vst v63  }
0x9e: {  	s29 =	sld [smem:$0x7EE]  }
0x9f: {  	[tilespmem:s0], [sflag:$0x1] =	stream.indirect_vreg.gather [hbm4b:s12+s2], $0x80, v2, vm0, $0xb8;
	[tilespmem:$0x1C080] =	vst v63  }
0xa0: {  	s0 =	sld [smem:$0x7EF]  }
0xa1: {  	[tilespmem:s29], [sflag:$0x1] =	stream.indirect_vreg.gather [hbm4b:s14+s2], $0x80, v2, vm0, $0xb8;
	[tilespmem:$0x1C080] =	vst v63  }
0xa2: {  	s29 =	sld [smem:$0x7F0]  }
0xa3: {  	[tilespmem:s0], [sflag:$0x1] =	stream.indirect_vreg.gather [hbm4b:s16+s2], $0x80, v2, vm0, $0xb8;
	[tilespmem:$0x1C080] =	vst v63  }
0xa4: {  	s0 =	sld [smem:$0x7F1]  }
0xa5: {  	[tilespmem:s29], [sflag:$0x1] =	stream.indirect_vreg.gather [hbm4b:s18+s2], $0x80, v2, vm0, $0xb8;
	[tilespmem:$0x1C080] =	vst v63  }
0xa6: {  	_ = 	snop  }
0xa7: {  	[tilespmem:s0], [sflag:$0x1] =	stream.indirect_vreg.gather [hbm4b:s20+s2], $0x80, v2, vm0, $0xb8;
	[tilespmem:$0x1C080] =	vst v63  }
0xa8: {  	v2 =	vld.msk [tilespmem:$0x28], $0xff;
	_ =	sdelay $0x4  }
0xa9: {  	v3 =	vshll.u32 v2, $0x9  }
0xaa: {  	v2 =	vand.u32 $0x7, v2;
	v3 =	vand.u32 $0xFFFFF000, v3  }
0xab: {  	v2 =	vor.u32 v2, v3  }
0xac: {  	v2 =	vperm.xlane v2, v0;
	_ =	sdelay $0x1  }
0xad: {  	v2 =	vadd.s32 v1, v2;
	_ =	sdelay $0x3  }
0xae: {  	s0 =	sld [smem:$0x7F2]  }
0xaf: {  	[tilespmem:s26], [sflag:$0x1] =	stream.indirect_vreg.gather [hbm4b:s4+s2], $0x80, v2, vm0, $0xb8;
	[tilespmem:$0x1C080] =	vst v63  }
0xb0: {  	s29 =	sld [smem:$0x7F3]  }
0xb1: {  	[tilespmem:s0], [sflag:$0x1] =	stream.indirect_vreg.gather [hbm4b:s8+s2], $0x80, v2, vm0, $0xb8;
	[tilespmem:$0x1C080] =	vst v63  }
0xb2: {  	s0 =	sld [smem:$0x7F4]  }
0xb3: {  	[tilespmem:s29], [sflag:$0x1] =	stream.indirect_vreg.gather [hbm4b:s10+s2], $0x80, v2, vm0, $0xb8;
	[tilespmem:$0x1C080] =	vst v63  }
0xb4: {  	s29 =	sld [smem:$0x7F5]  }
0xb5: {  	[tilespmem:s0], [sflag:$0x1] =	stream.indirect_vreg.gather [hbm4b:s12+s2], $0x80, v2, vm0, $0xb8;
	[tilespmem:$0x1C080] =	vst v63  }
0xb6: {  	s0 =	sld [smem:$0x7F6]  }
0xb7: {  	[tilespmem:s29], [sflag:$0x1] =	stream.indirect_vreg.gather [hbm4b:s14+s2], $0x80, v2, vm0, $0xb8;
	[tilespmem:$0x1C080] =	vst v63  }
0xb8: {  	s29 =	sld [smem:$0x7F7]  }
0xb9: {  	[tilespmem:s0], [sflag:$0x1] =	stream.indirect_vreg.gather [hbm4b:s16+s2], $0x80, v2, vm0, $0xb8;
	[tilespmem:$0x1C080] =	vst v63  }
0xba: {  	s0 =	sld [smem:$0x7F8]  }
0xbb: {  	[tilespmem:s29], [sflag:$0x1] =	stream.indirect_vreg.gather [hbm4b:s18+s2], $0x80, v2, vm0, $0xb8;
	[tilespmem:$0x1C080] =	vst v63  }
0xbc: {  	_ = 	snop  }
0xbd: {  	[tilespmem:s0], [sflag:$0x1] =	stream.indirect_vreg.gather [hbm4b:s20+s2], $0x80, v2, vm0, $0xb8;
	[tilespmem:$0x1C080] =	vst v63  }
0xbe: {  	v2 =	vld.msk [tilespmem:$0x30], $0xff;
	_ =	sdelay $0x4  }
0xbf: {  	v3 =	vshll.u32 v2, $0x9  }
0xc0: {  	v2 =	vand.u32 $0x7, v2;
	v3 =	vand.u32 $0xFFFFF000, v3  }
0xc1: {  	v2 =	vor.u32 v2, v3  }
0xc2: {  	v2 =	vperm.xlane v2, v0;
	_ =	sdelay $0x1  }
0xc3: {  	v2 =	vadd.s32 v1, v2;
	_ =	sdelay $0x3  }
0xc4: {  	s0 =	sld [smem:$0x7F9]  }
0xc5: {  	[tilespmem:s28], [sflag:$0x1] =	stream.indirect_vreg.gather [hbm4b:s4+s2], $0x80, v2, vm0, $0xb8;
	[tilespmem:$0x1C080] =	vst v63  }
0xc6: {  	s29 =	sld [smem:$0x7FA]  }
0xc7: {  	[tilespmem:s0], [sflag:$0x1] =	stream.indirect_vreg.gather [hbm4b:s8+s2], $0x80, v2, vm0, $0xb8;
	[tilespmem:$0x1C080] =	vst v63  }
0xc8: {  	s0 =	sld [smem:$0x7FB]  }
0xc9: {  	[tilespmem:s29], [sflag:$0x1] =	stream.indirect_vreg.gather [hbm4b:s10+s2], $0x80, v2, vm0, $0xb8;
	[tilespmem:$0x1C080] =	vst v63  }
0xca: {  	s29 =	sld [smem:$0x7FC]  }
0xcb: {  	[tilespmem:s0], [sflag:$0x1] =	stream.indirect_vreg.gather [hbm4b:s12+s2], $0x80, v2, vm0, $0xb8;
	[tilespmem:$0x1C080] =	vst v63  }
0xcc: {  	s0 =	sld [smem:$0x7FD]  }
0xcd: {  	[tilespmem:s29], [sflag:$0x1] =	stream.indirect_vreg.gather [hbm4b:s14+s2], $0x80, v2, vm0, $0xb8;
	[tilespmem:$0x1C080] =	vst v63  }
0xce: {  	_ = 	snop  }
0xcf: {  	[tilespmem:s0], [sflag:$0x1] =	stream.indirect_vreg.gather [hbm4b:s16+s2], $0x80, v2, vm0, $0xb8;
	[tilespmem:$0x1C080] =	vst v63  }
0xd0: {  	s29 =	simm.s32 $0x1B080  }
0xd1: {  	[tilespmem:s29], [sflag:$0x1] =	stream.indirect_vreg.gather [hbm4b:s18+s2], $0x80, v2, vm0, $0xb8;
	[tilespmem:$0x1C080] =	vst v63  }
0xd2: {  	_ = 	snop  }
0xd3: {  	[tilespmem:s30], [sflag:$0x1] =	stream.indirect_vreg.gather [hbm4b:s20+s2], $0x80, v2, vm0, $0xb8;
	[tilespmem:$0x1C080] =	vst v63  }
0xd4: {  	_ =	swait.ge [sflag:s31], $0x4000  }
0xd5: {  	[sflag:s31] =	ssyncset.done $0x0  }
0xd6: {  	[sflag:s31] =	ssyncadd.s32 $0xFFFFC000  }
0xd7: {  	[hbm4b:s3+s2] =	stream.linear.scatter [tilespmem:s7], [sflag:$0x2], $0x4000, $0x38;
	[tilespmem:$0x1C080] =	vst v63  }
0xd8: {  	_ =	swait.ge [sflag:s1], $0x4000  }
0xd9: {  	[sflag:s1] =	ssyncset.done $0x0  }
0xda: {  	[sflag:s1] =	ssyncadd.s32 $0xFFFFC000  }
0xdb: {  	v2 =	vld.msk [tilespmem:$0x38], $0xff;
	_ =	sdelay $0x4  }
0xdc: {  	v3 =	vshll.u32 v2, $0x9  }
0xdd: {  	v2 =	vand.u32 $0x7, v2;
	v3 =	vand.u32 $0xFFFFF000, v3  }
0xde: {  	v2 =	vor.u32 v2, v3  }
0xdf: {  	v2 =	vperm.xlane v2, v0;
	_ =	sdelay $0x1  }
0xe0: {  	v2 =	vadd.s32 v1, v2;
	_ =	sdelay $0x4  }
0xe1: {  	[tilespmem:s7], [sflag:$0x1] =	stream.indirect_vreg.gather [hbm4b:s4+s2], $0x80, v2, vm0, $0xb8;
	[tilespmem:$0x1C080] =	vst v63  }
0xe2: {  	_ = 	snop  }
0xe3: {  	[tilespmem:s9], [sflag:$0x1] =	stream.indirect_vreg.gather [hbm4b:s8+s2], $0x80, v2, vm0, $0xb8;
	[tilespmem:$0x1C080] =	vst v63  }
0xe4: {  	_ = 	snop  }
0xe5: {  	[tilespmem:s11], [sflag:$0x1] =	stream.indirect_vreg.gather [hbm4b:s10+s2], $0x80, v2, vm0, $0xb8;
	[tilespmem:$0x1C080] =	vst v63  }
0xe6: {  	_ = 	snop  }
0xe7: {  	[tilespmem:s13], [sflag:$0x1] =	stream.indirect_vreg.gather [hbm4b:s12+s2], $0x80, v2, vm0, $0xb8;
	[tilespmem:$0x1C080] =	vst v63  }
0xe8: {  	_ = 	snop  }
0xe9: {  	[tilespmem:s15], [sflag:$0x1] =	stream.indirect_vreg.gather [hbm4b:s14+s2], $0x80, v2, vm0, $0xb8;
	[tilespmem:$0x1C080] =	vst v63  }
0xea: {  	_ = 	snop  }
0xeb: {  	[tilespmem:s17], [sflag:$0x1] =	stream.indirect_vreg.gather [hbm4b:s16+s2], $0x80, v2, vm0, $0xb8;
	[tilespmem:$0x1C080] =	vst v63  }
0xec: {  	_ = 	snop  }
0xed: {  	[tilespmem:s19], [sflag:$0x1] =	stream.indirect_vreg.gather [hbm4b:s18+s2], $0x80, v2, vm0, $0xb8;
	[tilespmem:$0x1C080] =	vst v63  }
0xee: {  	_ = 	snop  }
0xef: {  	[tilespmem:s21], [sflag:$0x1] =	stream.indirect_vreg.gather [hbm4b:s20+s2], $0x80, v2, vm0, $0xb8;
	[tilespmem:$0x1C080] =	vst v63  }
0xf0: {  	_ =	swait.ge [sflag:s31], $0x4000  }
0xf1: {  	[sflag:s31] =	ssyncset.done $0x0  }
0xf2: {  	s29 =	rddreg [dreg:$0x5];
	[sflag:s31] =	ssyncadd.s32 $0xFFFFC000  }
0xf3: {  	[hbm4b:s29+s2] =	stream.linear.scatter [tilespmem:s22], [sflag:$0x2], $0x4000, $0x38;
	[tilespmem:$0x1C080] =	vst v63  }
0xf4: {  	_ =	swait.ge [sflag:s31], $0x4000  }
0xf5: {  	[sflag:s31] =	ssyncset.done $0x0  }
0xf6: {  	s29 =	rddreg [dreg:$0x6];
	[sflag:s31] =	ssyncadd.s32 $0xFFFFC000  }
0xf7: {  	[hbm4b:s29+s2] =	stream.linear.scatter [tilespmem:s23], [sflag:$0x2], $0x4000, $0x38;
	[tilespmem:$0x1C080] =	vst v63  }
0xf8: {  	_ =	swait.ge [sflag:s31], $0x4000  }
0xf9: {  	[sflag:s31] =	ssyncset.done $0x0  }
0xfa: {  	s29 =	rddreg [dreg:$0x7];
	[sflag:s31] =	ssyncadd.s32 $0xFFFFC000  }
0xfb: {  	[hbm4b:s29+s2] =	stream.linear.scatter [tilespmem:s24], [sflag:$0x2], $0x4000, $0x38;
	[tilespmem:$0x1C080] =	vst v63  }
0xfc: {  	_ =	swait.ge [sflag:s31], $0x4000  }
0xfd: {  	[sflag:s31] =	ssyncset.done $0x0  }
0xfe: {  	s29 =	rddreg [dreg:$0x8];
	[sflag:s31] =	ssyncadd.s32 $0xFFFFC000  }
0xff: {  	[hbm4b:s29+s2] =	stream.linear.scatter [tilespmem:s25], [sflag:$0x2], $0x4000, $0x38;
	[tilespmem:$0x1C080] =	vst v63  }
0x100: {  	_ =	swait.ge [sflag:s31], $0x4000  }
0x101: {  	[sflag:s31] =	ssyncset.done $0x0  }
0x102: {  	s29 =	rddreg [dreg:$0x9];
	[sflag:s31] =	ssyncadd.s32 $0xFFFFC000  }
0x103: {  	[hbm4b:s29+s2] =	stream.linear.scatter [tilespmem:s26], [sflag:$0x2], $0x4000, $0x38;
	[tilespmem:$0x1C080] =	vst v63  }
0x104: {  	_ =	swait.ge [sflag:s31], $0x4000  }
0x105: {  	[sflag:s31] =	ssyncset.done $0x0  }
0x106: {  	s29 =	rddreg [dreg:$0xa];
	[sflag:s31] =	ssyncadd.s32 $0xFFFFC000  }
0x107: {  	[hbm4b:s29+s2] =	stream.linear.scatter [tilespmem:s28], [sflag:$0x2], $0x4000, $0x38;
	[tilespmem:$0x1C080] =	vst v63  }
0x108: {  	_ =	swait.ge [sflag:s31], $0x4000  }
0x109: {  	[sflag:s31] =	ssyncset.done $0x0  }
0x10a: {  	s29 =	rddreg [dreg:$0xb];
	[sflag:s31] =	ssyncadd.s32 $0xFFFFC000  }
0x10b: {  	[hbm4b:s29+s2] =	stream.linear.scatter [tilespmem:s7], [sflag:$0x2], $0x4000, $0x38;
	[tilespmem:$0x1C080] =	vst v63  }
0x10c: {  	_ =	swait.ge [sflag:s1], $0x4000  }
0x10d: {  	[sflag:s1] =	ssyncset.done $0x0  }
0x10e: {  	[sflag:s1] =	ssyncadd.s32 $0xFFFFC000  }
0x10f: {  	_ =	swait.ge [sflag:s1], $0x4000  }
0x110: {  	[sflag:s1] =	ssyncset.done $0x0  }
0x111: {  	[sflag:s1] =	ssyncadd.s32 $0xFFFFC000  }
0x112: {  	_ =	swait.ge [sflag:s1], $0x4000  }
0x113: {  	[sflag:s1] =	ssyncset.done $0x0  }
0x114: {  	[sflag:s1] =	ssyncadd.s32 $0xFFFFC000  }
0x115: {  	_ =	swait.ge [sflag:s1], $0x4000  }
0x116: {  	[sflag:s1] =	ssyncset.done $0x0  }
0x117: {  	[sflag:s1] =	ssyncadd.s32 $0xFFFFC000  }
0x118: {  	_ =	swait.ge [sflag:s1], $0x4000  }
0x119: {  	[sflag:s1] =	ssyncset.done $0x0  }
0x11a: {  	[sflag:s1] =	ssyncadd.s32 $0xFFFFC000  }
0x11b: {  	p0 =	sne.s32 s5, $0x1;
	_ =	swait.ge [sflag:s1], $0x4000  }
.Ltmp0:
0x11c: {  	[sflag:s1] =	ssyncset.done $0x0;
	(pc) =	sbr.rel @p0 .LBB2_1-.Ltmp0, $4  }
0x11d: {  	[sflag:s1] =	ssyncadd.s32 $0xFFFFC000  }
0x11e: {  	_ =	swait.ge [sflag:s1], $0x4000  }
0x11f: {  	[sflag:s1] =	ssyncset.done $0x0  }
0x120: {  	s5 =	sadd.s32 $0xFFFFFFFF, s5;
	[sflag:s1] =	ssyncadd.s32 $0xFFFFC000  }
0x121: {  	_ =	sfence.sel $0x180000  }
0x122: {  	[bflag:$0x0] =	sbarrier.arrive $0xFFFF  }
0x123: {  	_ =	strace $0x90000047  }
0x124: {  	s0 =	stileid.u32;
	[bflag:$0x2] =	sbarrier.arrive $0xFFFF  }
0x125: {  	p0 =	sne.s32 s0, $0x0;
	s0 =	rddreg [dreg:$0x3]  }
0x126: {  	s0 =	sadd.s32 @!p0 $0x100000, s0  }
0x127: {  	[sflag:s0] =	ssyncadd.tile.s32 @!p0 $0x1;
	_ =	shalt  }
.Lfunc_end2:
_tile_overlayer_lowered:
.L_overlay_start_2:
0x128: {  	(tag) =	ssettag $0x2  }
0x129: {  	s0 =	rddreg [dreg:$0x0];
	s2 =	stileid.u32  }
0x12a: {  	s1 =	rddreg [dreg:$0x1];
	p0 =	sne.s32 s2, $0x0  }
0x12b: {  	s3 =	rddreg [dreg:$0x2];
	[bflag:$0x3] =	sbarrier.arrive $0xFFFF;
	s2 =	simm.s32 @!p0 $0x1C03  }
0x12c: {  	[timem:s3], [sflag:s2] =	dma.local @!p0 [hbm:s0], s1  }
0x12d: {  	s0 =	simm.s32 @!p0 $0x3  }
0x12e: {  	_ =	swait.ge @!p0 [sflag:s0], s1  }
0x12f: {  	s1 =	ssub.s32 @!p0 $0x0, s1;
	[sflag:s0] =	ssyncset.done @!p0 $0x0  }
0x130: {  	[sflag:s0] =	ssyncadd.s32 @!p0 s1  }
0x131: {  	[bflag:$0x3] =	sbarrier.arrive $0xFFFF  }
0x132: {  	_ =	shalt  }

</sc_bundles>
